<compile_context>
chip_gen: v7x
topology: tpu7x:2x2x1
jax: 0.10.2.dev20260603
libtpu: 0.0.44.dev20260713+nightly
codegen_flags: <defaults>
</compile_context>

<pallas_src>
import jax
import jax.numpy as jnp
from jax import lax
from jax.experimental import pallas as pl
from jax.experimental.pallas import tpu as pltpu
from jax.experimental.pallas import tpu_sc as plsc

_MAX_SEQ_LEN = 8192
_D_MODEL = 4096
_NUM_CORES = 2
_NUM_SUBCORES = 16
_NUM_WORKERS = _NUM_CORES * _NUM_SUBCORES
_ROWS_PER_WORKER = _MAX_SEQ_LEN // _NUM_WORKERS
_CHUNK_ROWS = 8
_NUM_CHUNKS = _ROWS_PER_WORKER // _CHUNK_ROWS
_NBUF = 3
_NANBUF_ROWS = 4
_LANES = 16


def _copy_body(pe_hbm, flag_hbm, out_hbm, flag_v, nanbuf, shared,
               sems_in, sems_out):
    cid = lax.axis_index("c")
    sid = lax.axis_index("s")
    wid = cid * _NUM_SUBCORES + sid
    base = wid * _ROWS_PER_WORKER

    def in_slice(i):
        return pe_hbm.at[pl.ds(base + i * _CHUNK_ROWS, _CHUNK_ROWS)]

    def out_slice(i):
        return out_hbm.at[pl.ds(base + i * _CHUNK_ROWS, _CHUNK_ROWS)]

    def buf(b):
        return shared.at[sid, b]

    pltpu.sync_copy(flag_hbm, flag_v)
    valid = flag_v[...][0] != 0

    @pl.when(jnp.logical_not(valid))
    def _fill_nan():
        nanv = jnp.full((_LANES,), jnp.nan, dtype=jnp.float32)

        def fill(i, carry):
            r = i // (_D_MODEL // _LANES)
            c = (i % (_D_MODEL // _LANES)) * _LANES
            nanbuf[r, pl.ds(c, _LANES)] = nanv
            return carry

        lax.fori_loop(0, _NANBUF_ROWS * (_D_MODEL // _LANES), fill, 0)
        for b in range(_NBUF):
            for h in range(_CHUNK_ROWS // _NANBUF_ROWS):
                pltpu.async_copy(
                    nanbuf,
                    shared.at[sid, b, pl.ds(h * _NANBUF_ROWS, _NANBUF_ROWS)],
                    sems_in[b],
                ).wait()

    @pl.when(valid)
    def _prime():
        pltpu.async_copy(in_slice(0), buf(0), sems_in[0])
        pltpu.async_copy(in_slice(1), buf(1), sems_in[1])

    def step(i, b):
        p = (b + 2) % _NBUF

        @pl.when(valid)
        def _wait_load():
            pltpu.make_async_copy(in_slice(i), buf(b), sems_in[b]).wait()

        @pl.when(i >= 1)
        def _drain_prev_store():
            pltpu.make_async_copy(buf(p), out_slice(i - 1), sems_out[p]).wait()

        @pl.when(jnp.logical_and(valid, i + 2 < _NUM_CHUNKS))
        def _load_ahead():
            pltpu.async_copy(in_slice(i + 2), buf(p), sems_in[p])

        pltpu.async_copy(buf(b), out_slice(i), sems_out[b])

    n_grouped = (_NUM_CHUNKS // _NBUF) * _NBUF

    def group(g, carry):
        for b in range(_NBUF):
            step(g * _NBUF + b, b)
        return carry

    lax.fori_loop(0, _NUM_CHUNKS // _NBUF, group, 0)

    for i in range(n_grouped, _NUM_CHUNKS):
        step(i, i % _NBUF)

    pltpu.make_async_copy(
        buf((_NUM_CHUNKS - 1) % _NBUF), out_slice(_NUM_CHUNKS - 1),
        sems_out[(_NUM_CHUNKS - 1) % _NBUF],
    ).wait()


@jax.jit
def _sc_copy(pe, flag):
    mesh = plsc.VectorSubcoreMesh(core_axis_name="c", subcore_axis_name="s")
    return pl.kernel(
        _copy_body,
        out_type=jax.ShapeDtypeStruct((_MAX_SEQ_LEN, _D_MODEL), jnp.float32),
        mesh=mesh,
        scratch_types=[
            pltpu.VMEM((_LANES,), jnp.int32),
            pltpu.VMEM((_NANBUF_ROWS, _D_MODEL), jnp.float32),
            pltpu.VMEM_SHARED(
                (_NUM_SUBCORES, _NBUF, _CHUNK_ROWS, _D_MODEL), jnp.float32
            ),
            tuple(pltpu.SemaphoreType.DMA for _ in range(_NBUF)),
            tuple(pltpu.SemaphoreType.DMA for _ in range(_NBUF)),
        ],
    )(pe, flag)


def kernel(pe, seq_len):
    flag = jnp.broadcast_to(
        (jnp.asarray(seq_len) <= _MAX_SEQ_LEN).astype(jnp.int32), (_LANES,)
    )
    return _sc_copy(pe, flag)[None, :, :]

# --- scband reference (transcript-rebuilt; emitter-appended) ---
"""Pipeline reference for scband-positional-embedding-80436147519979 (READ-ONLY COPY).

The authoritative reference and input builder live on the scoring server;
editing this copy changes nothing except your own understanding.
"""

import jax, jax.numpy as jnp
import numpy as np
import math

MAX_SEQ_LEN = 8192
D_MODEL = 4096

def _build_pe(max_seq_len, d_model):
    position = jnp.arange(0, max_seq_len, dtype=jnp.float32)[:, None]
    div_term = jnp.exp(jnp.arange(0, d_model, 2, dtype=jnp.float32) * (-math.log(10000.0) / d_model))
    pe = jnp.zeros((max_seq_len, d_model), dtype=jnp.float32)
    pe = pe.at[:, 0::2].set(jnp.sin(position * div_term))
    pe = pe.at[:, 1::2].set(jnp.cos(position * div_term))
    return pe

def setup_inputs() -> dict:
    pe = _build_pe(MAX_SEQ_LEN, D_MODEL)
    seq_len = 8192
    return {"pe": pe, "seq_len": seq_len}

def reference(pe, seq_len):
    # Faithful translation of PositionalEmbedding.forward:
    #   return self.pe[:seq_len].unsqueeze(0)
    seq_len_static = pe.shape[0]
    valid = jnp.asarray(seq_len) <= MAX_SEQ_LEN
    out = pe[:seq_len_static][None, :, :]
    return jnp.where(valid, out, jnp.full_like(out, jnp.nan))

if __name__ == "__main__":
    import jax
    _d = setup_inputs()
    print(jax.jit(kernel)(*tuple(_d.values())))

</pallas_src>

<mosaic_0001>
#map = affine_map<(d0, d1) -> (0, 0)>
#map1 = affine_map<(d0, d1) -> (0)>
module attributes {stable_mosaic.version = 14 : i64} {
  func.func @_copy_body(%arg0: i32, %arg1: i32, %arg2: memref<8192x4096xf32, #tpu.memory_space<hbm>>, %arg3: memref<16xi32, #tpu.memory_space<hbm>>, %arg4: memref<8192x4096xf32, #tpu.memory_space<hbm>>, %arg5: memref<16xi32, #tpu.memory_space<vmem>>, %arg6: memref<4x4096xf32, #tpu.memory_space<vmem>>, %arg7: memref<16x3x8x4096xf32, #tpu.memory_space<vmem_shared>>, %arg8: memref<!tpu.dma_semaphore, #tpu.memory_space<semaphore_mem>>, %arg9: memref<!tpu.dma_semaphore, #tpu.memory_space<semaphore_mem>>, %arg10: memref<!tpu.dma_semaphore, #tpu.memory_space<semaphore_mem>>, %arg11: memref<!tpu.dma_semaphore, #tpu.memory_space<semaphore_mem>>, %arg12: memref<!tpu.dma_semaphore, #tpu.memory_space<semaphore_mem>>, %arg13: memref<!tpu.dma_semaphore, #tpu.memory_space<semaphore_mem>>) attributes {dimension_semantics = [#tpu.dimension_semantics<core_parallel>, #tpu.dimension_semantics<subcore_parallel>], iteration_bounds = array<i64: 2, 16>, scalar_prefetch = 0 : i64, scratch_operands = 9 : i64, tpu.core_type = #tpu.core_type<sc_vector_subcore>, window_params = [{transform_indices = #map}, {transform_indices = #map1}, {transform_indices = #map}]} {
    %mul3A = arith.constant 16 : i32
    %mul3A_0 = arith.muli %arg0, %mul3A : i32
    %add3A = arith.addi %mul3A_0, %arg1 : i32
    %mul3A_1 = arith.constant 256 : i32
    %mul3A_2 = arith.muli %add3A, %mul3A_1 : i32
    "tpu.region"() ({
      %run_scoped3A = tpu.sem_alloc : memref<!tpu.dma_semaphore, #tpu.memory_space<semaphore_mem>>
      tpu.enqueue_dma source(%arg3 : memref<16xi32, #tpu.memory_space<hbm>>) target(%arg5 : memref<16xi32, #tpu.memory_space<vmem>>) target_semaphore(%run_scoped3A : memref<!tpu.dma_semaphore, #tpu.memory_space<semaphore_mem>>)
      tpu.wait_dma2 semaphore(%run_scoped3A : memref<!tpu.dma_semaphore, #tpu.memory_space<semaphore_mem>>) src(%arg3 : memref<16xi32, #tpu.memory_space<hbm>>) dst(%arg5 : memref<16xi32, #tpu.memory_space<vmem>>)
      tpu.yield
    }) : () -> ()
    %get3A = arith.constant 0 : index
    %get3A_3 = tpu.vector_load %arg5[%get3A] {strides = array<i32>} : memref<16xi32, #tpu.memory_space<vmem>>, vector<16xi32>,
    %get3A_4 = vector.shape_cast %get3A_3 : vector<16xi32> to vector<16xi32>
    %slice3A = vector.extract_strided_slice %get3A_4 {offsets = [0], sizes = [1], strides = [1]} : vector<16xi32> to vector<1xi32>
    %squeeze3A = vector.extract %slice3A[0] : i32 from vector<1xi32>
    %ne3A = arith.constant 0 : i32
    %ne3A_5 = arith.cmpi ne, %squeeze3A, %ne3A : i32
    %not3A = arith.constant true
    %not3A_6 = arith.xori %ne3A_5, %not3A : i1
    %convert_element_type3A = arith.extui %not3A_6 : i1 to i32
    %cond3A = arith.constant 0 : i32
    %cond3A_7 = arith.cmpi ne, %convert_element_type3A, %cond3A : i32
    scf.if %cond3A_7 {
      %broadcast_in_dim3A = arith.constant 0x7FC00000 : f32
      %broadcast_in_dim3A_74 = vector.broadcast %broadcast_in_dim3A : f32 to vector<16xf32>
      %scan3A_75 = arith.constant 0 : i32
      %scan3A_76 = arith.constant 0 : i32
      %scan3A_77 = arith.constant 1024 : i32
      %scan3A_78 = arith.addi %scan3A_76, %scan3A_77 : i32
      %scan3A_79 = arith.constant 1 : i32
      scf.for %scan3A_189 = %scan3A_76 to %scan3A_78 step %scan3A_79  : i32 {
        %jit3A = arith.constant 256 : i32
        %div3A = arith.divsi %scan3A_189, %jit3A : i32
        %sign3A = arith.constant 0 : i32
        %sign3A_190 = arith.cmpi sgt, %scan3A_189, %sign3A : i32
        %sign3A_191 = arith.extui %sign3A_190 : i1 to i32
        %sign3A_192 = arith.constant 0 : i32
        %sign3A_193 = arith.cmpi slt, %scan3A_189, %sign3A_192 : i32
        %sign3A_194 = arith.extui %sign3A_193 : i1 to i32
        %sign3A_195 = arith.subi %sign3A_191, %sign3A_194 : i32
        %sign3A_196 = arith.constant 0 : i32
        %sign3A_197 = arith.cmpi sgt, %jit3A, %sign3A_196 : i32
        %sign3A_198 = arith.extui %sign3A_197 : i1 to i32
        %sign3A_199 = arith.constant 0 : i32
        %sign3A_200 = arith.cmpi slt, %jit3A, %sign3A_199 : i32
        %sign3A_201 = arith.extui %sign3A_200 : i1 to i32
        %sign3A_202 = arith.subi %sign3A_198, %sign3A_201 : i32
        %ne3A_203 = arith.cmpi ne, %sign3A_195, %sign3A_202 : i32
        %rem3A = arith.remsi %scan3A_189, %jit3A : i32
        %ne3A_204 = arith.constant 0 : i32
        %ne3A_205 = arith.cmpi ne, %rem3A, %ne3A_204 : i32
        %and3A_206 = arith.andi %ne3A_203, %ne3A_205 : i1
        %sub3A = arith.constant 1 : i32
        %sub3A_207 = arith.subi %div3A, %sub3A : i32
        %select_n3A = arith.select %and3A_206, %sub3A_207, %div3A : i32
        %jit3A_208 = arith.constant 256 : i32
        %eq3A = arith.constant 0 : i32
        %eq3A_209 = arith.cmpi eq, %jit3A_208, %eq3A : i32
        %jit3A_210 = arith.constant 1 : i32
        %select_n3A_211 = arith.select %eq3A_209, %jit3A_210, %jit3A_208 : i32
        %rem3A_212 = arith.remsi %scan3A_189, %select_n3A_211 : i32
        %ne3A_213 = arith.constant 0 : i32
        %ne3A_214 = arith.cmpi ne, %rem3A_212, %ne3A_213 : i32
        %lt3A = arith.constant 0 : i32
        %lt3A_215 = arith.cmpi slt, %rem3A_212, %lt3A : i32
        %lt3A_216 = arith.constant 0 : i32
        %lt3A_217 = arith.cmpi slt, %select_n3A_211, %lt3A_216 : i32
        %ne3A_218 = arith.xori %lt3A_215, %lt3A_217 : i1
        %and3A_219 = arith.andi %ne3A_218, %ne3A_214 : i1
        %add3A_220 = arith.addi %rem3A_212, %select_n3A_211 : i32
        %select_n3A_221 = arith.select %and3A_219, %add3A_220, %rem3A_212 : i32
        %mul3A_222 = arith.constant 16 : i32
        %mul3A_223 = arith.muli %select_n3A_221, %mul3A_222 : i32
        %swap3A = arith.index_cast %select_n3A : i32 to index
        %swap3A_224 = arith.index_cast %mul3A_223 : i32 to index
        %swap3A_225 = tpu.vector_load %arg6[%swap3A, %swap3A_224] {strides = array<i32>} : memref<4x4096xf32, #tpu.memory_space<vmem>>, vector<1x16xf32>,
        %swap3A_226 = vector.shape_cast %swap3A_225 : vector<1x16xf32> to vector<16xf32>
        %swap3A_227 = vector.shape_cast %broadcast_in_dim3A_74 : vector<16xf32> to vector<1x16xf32>
        tpu.vector_store %arg6[%swap3A, %swap3A_224], %swap3A_227 {strides = array<i32>} : memref<4x4096xf32, #tpu.memory_space<vmem>>, vector<1x16xf32>,
      }
      %scan3A_80 = arith.constant 1024 : i32
      %dma_start3A_81 = arith.constant 0 : i32
      %dma_start3A_82 = arith.constant 0 : i32
      %dma_start3A_83 = arith.constant 0 : i32
      %dma_start3A_84 = tpu.memref_slice %arg7[%arg1, %dma_start3A_81, %dma_start3A_82, %dma_start3A_83] : memref<16x3x8x4096xf32, #tpu.memory_space<vmem_shared>> -> memref<1x1x4x4096xf32, #tpu.memory_space<vmem_shared>>
      %dma_start3A_85 = tpu.memref_squeeze %dma_start3A_84 : memref<1x1x4x4096xf32, #tpu.memory_space<vmem_shared>> -> memref<4x4096xf32, #tpu.memory_space<vmem_shared>>
      %dma_start3A_86 = arith.constant 0 : i32
      %dma_start3A_87 = arith.constant 0 : i32
      %dma_start3A_88 = tpu.memref_slice %arg7[%arg1, %dma_start3A_81, %dma_start3A_86, %dma_start3A_87] : memref<16x3x8x4096xf32, #tpu.memory_space<vmem_shared>> -> memref<1x1x4x4096xf32, #tpu.memory_space<vmem_shared>>
      %dma_start3A_89 = tpu.memref_squeeze %dma_start3A_88 : memref<1x1x4x4096xf32, #tpu.memory_space<vmem_shared>> -> memref<4x4096xf32, #tpu.memory_space<vmem_shared>>
      tpu.enqueue_dma source(%arg6 : memref<4x4096xf32, #tpu.memory_space<vmem>>) target(%dma_start3A_89 : memref<4x4096xf32, #tpu.memory_space<vmem_shared>>) target_semaphore(%arg8 : memref<!tpu.dma_semaphore, #tpu.memory_space<semaphore_mem>>)
      %dma_wait3A_90 = arith.constant 0 : i32
      %dma_wait3A_91 = arith.constant 0 : i32
      %dma_wait3A_92 = arith.constant 0 : i32
      %dma_wait3A_93 = tpu.memref_slice %arg7[%arg1, %dma_wait3A_90, %dma_wait3A_91, %dma_wait3A_92] : memref<16x3x8x4096xf32, #tpu.memory_space<vmem_shared>> -> memref<1x1x4x4096xf32, #tpu.memory_space<vmem_shared>>
      %dma_wait3A_94 = tpu.memref_squeeze %dma_wait3A_93 : memref<1x1x4x4096xf32, #tpu.memory_space<vmem_shared>> -> memref<4x4096xf32, #tpu.memory_space<vmem_shared>>
      %dma_wait3A_95 = arith.constant 0 : i32
      %dma_wait3A_96 = arith.constant 0 : i32
      %dma_wait3A_97 = tpu.memref_slice %arg7[%arg1, %dma_wait3A_90, %dma_wait3A_95, %dma_wait3A_96] : memref<16x3x8x4096xf32, #tpu.memory_space<vmem_shared>> -> memref<1x1x4x4096xf32, #tpu.memory_space<vmem_shared>>
      %dma_wait3A_98 = tpu.memref_squeeze %dma_wait3A_97 : memref<1x1x4x4096xf32, #tpu.memory_space<vmem_shared>> -> memref<4x4096xf32, #tpu.memory_space<vmem_shared>>
      tpu.wait_dma2 semaphore(%arg8 : memref<!tpu.dma_semaphore, #tpu.memory_space<semaphore_mem>>) src(%arg6 : memref<4x4096xf32, #tpu.memory_space<vmem>>) dst(%dma_wait3A_98 : memref<4x4096xf32, #tpu.memory_space<vmem_shared>>)
      %dma_start3A_99 = arith.constant 0 : i32
      %dma_start3A_100 = arith.constant 4 : i32
      %dma_start3A_101 = arith.constant 0 : i32
      %dma_start3A_102 = tpu.memref_slice %arg7[%arg1, %dma_start3A_99, %dma_start3A_100, %dma_start3A_101] : memref<16x3x8x4096xf32, #tpu.memory_space<vmem_shared>> -> memref<1x1x4x4096xf32, #tpu.memory_space<vmem_shared>>
      %dma_start3A_103 = tpu.memref_squeeze %dma_start3A_102 : memref<1x1x4x4096xf32, #tpu.memory_space<vmem_shared>> -> memref<4x4096xf32, #tpu.memory_space<vmem_shared>>
      %dma_start3A_104 = arith.constant 4 : i32
      %dma_start3A_105 = arith.constant 0 : i32
      %dma_start3A_106 = tpu.memref_slice %arg7[%arg1, %dma_start3A_99, %dma_start3A_104, %dma_start3A_105] : memref<16x3x8x4096xf32, #tpu.memory_space<vmem_shared>> -> memref<1x1x4x4096xf32, #tpu.memory_space<vmem_shared>>
      %dma_start3A_107 = tpu.memref_squeeze %dma_start3A_106 : memref<1x1x4x4096xf32, #tpu.memory_space<vmem_shared>> -> memref<4x4096xf32, #tpu.memory_space<vmem_shared>>
      tpu.enqueue_dma source(%arg6 : memref<4x4096xf32, #tpu.memory_space<vmem>>) target(%dma_start3A_107 : memref<4x4096xf32, #tpu.memory_space<vmem_shared>>) target_semaphore(%arg8 : memref<!tpu.dma_semaphore, #tpu.memory_space<semaphore_mem>>)
      %dma_wait3A_108 = arith.constant 0 : i32
      %dma_wait3A_109 = arith.constant 4 : i32
      %dma_wait3A_110 = arith.constant 0 : i32
      %dma_wait3A_111 = tpu.memref_slice %arg7[%arg1, %dma_wait3A_108, %dma_wait3A_109, %dma_wait3A_110] : memref<16x3x8x4096xf32, #tpu.memory_space<vmem_shared>> -> memref<1x1x4x4096xf32, #tpu.memory_space<vmem_shared>>
      %dma_wait3A_112 = tpu.memref_squeeze %dma_wait3A_111 : memref<1x1x4x4096xf32, #tpu.memory_space<vmem_shared>> -> memref<4x4096xf32, #tpu.memory_space<vmem_shared>>
      %dma_wait3A_113 = arith.constant 4 : i32
      %dma_wait3A_114 = arith.constant 0 : i32
      %dma_wait3A_115 = tpu.memref_slice %arg7[%arg1, %dma_wait3A_108, %dma_wait3A_113, %dma_wait3A_114] : memref<16x3x8x4096xf32, #tpu.memory_space<vmem_shared>> -> memref<1x1x4x4096xf32, #tpu.memory_space<vmem_shared>>
      %dma_wait3A_116 = tpu.memref_squeeze %dma_wait3A_115 : memref<1x1x4x4096xf32, #tpu.memory_space<vmem_shared>> -> memref<4x4096xf32, #tpu.memory_space<vmem_shared>>
      tpu.wait_dma2 semaphore(%arg8 : memref<!tpu.dma_semaphore, #tpu.memory_space<semaphore_mem>>) src(%arg6 : memref<4x4096xf32, #tpu.memory_space<vmem>>) dst(%dma_wait3A_116 : memref<4x4096xf32, #tpu.memory_space<vmem_shared>>)
      %dma_start3A_117 = arith.constant 1 : i32
      %dma_start3A_118 = arith.constant 0 : i32
      %dma_start3A_119 = arith.constant 0 : i32
      %dma_start3A_120 = tpu.memref_slice %arg7[%arg1, %dma_start3A_117, %dma_start3A_118, %dma_start3A_119] : memref<16x3x8x4096xf32, #tpu.memory_space<vmem_shared>> -> memref<1x1x4x4096xf32, #tpu.memory_space<vmem_shared>>
      %dma_start3A_121 = tpu.memref_squeeze %dma_start3A_120 : memref<1x1x4x4096xf32, #tpu.memory_space<vmem_shared>> -> memref<4x4096xf32, #tpu.memory_space<vmem_shared>>
      %dma_start3A_122 = arith.constant 0 : i32
      %dma_start3A_123 = arith.constant 0 : i32
      %dma_start3A_124 = tpu.memref_slice %arg7[%arg1, %dma_start3A_117, %dma_start3A_122, %dma_start3A_123] : memref<16x3x8x4096xf32, #tpu.memory_space<vmem_shared>> -> memref<1x1x4x4096xf32, #tpu.memory_space<vmem_shared>>
      %dma_start3A_125 = tpu.memref_squeeze %dma_start3A_124 : memref<1x1x4x4096xf32, #tpu.memory_space<vmem_shared>> -> memref<4x4096xf32, #tpu.memory_space<vmem_shared>>
      tpu.enqueue_dma source(%arg6 : memref<4x4096xf32, #tpu.memory_space<vmem>>) target(%dma_start3A_125 : memref<4x4096xf32, #tpu.memory_space<vmem_shared>>) target_semaphore(%arg9 : memref<!tpu.dma_semaphore, #tpu.memory_space<semaphore_mem>>)
      %dma_wait3A_126 = arith.constant 1 : i32
      %dma_wait3A_127 = arith.constant 0 : i32
      %dma_wait3A_128 = arith.constant 0 : i32
      %dma_wait3A_129 = tpu.memref_slice %arg7[%arg1, %dma_wait3A_126, %dma_wait3A_127, %dma_wait3A_128] : memref<16x3x8x4096xf32, #tpu.memory_space<vmem_shared>> -> memref<1x1x4x4096xf32, #tpu.memory_space<vmem_shared>>
      %dma_wait3A_130 = tpu.memref_squeeze %dma_wait3A_129 : memref<1x1x4x4096xf32, #tpu.memory_space<vmem_shared>> -> memref<4x4096xf32, #tpu.memory_space<vmem_shared>>
      %dma_wait3A_131 = arith.constant 0 : i32
      %dma_wait3A_132 = arith.constant 0 : i32
      %dma_wait3A_133 = tpu.memref_slice %arg7[%arg1, %dma_wait3A_126, %dma_wait3A_131, %dma_wait3A_132] : memref<16x3x8x4096xf32, #tpu.memory_space<vmem_shared>> -> memref<1x1x4x4096xf32, #tpu.memory_space<vmem_shared>>
      %dma_wait3A_134 = tpu.memref_squeeze %dma_wait3A_133 : memref<1x1x4x4096xf32, #tpu.memory_space<vmem_shared>> -> memref<4x4096xf32, #tpu.memory_space<vmem_shared>>
      tpu.wait_dma2 semaphore(%arg9 : memref<!tpu.dma_semaphore, #tpu.memory_space<semaphore_mem>>) src(%arg6 : memref<4x4096xf32, #tpu.memory_space<vmem>>) dst(%dma_wait3A_134 : memref<4x4096xf32, #tpu.memory_space<vmem_shared>>)
      %dma_start3A_135 = arith.constant 1 : i32
      %dma_start3A_136 = arith.constant 4 : i32
      %dma_start3A_137 = arith.constant 0 : i32
      %dma_start3A_138 = tpu.memref_slice %arg7[%arg1, %dma_start3A_135, %dma_start3A_136, %dma_start3A_137] : memref<16x3x8x4096xf32, #tpu.memory_space<vmem_shared>> -> memref<1x1x4x4096xf32, #tpu.memory_space<vmem_shared>>
      %dma_start3A_139 = tpu.memref_squeeze %dma_start3A_138 : memref<1x1x4x4096xf32, #tpu.memory_space<vmem_shared>> -> memref<4x4096xf32, #tpu.memory_space<vmem_shared>>
      %dma_start3A_140 = arith.constant 4 : i32
      %dma_start3A_141 = arith.constant 0 : i32
      %dma_start3A_142 = tpu.memref_slice %arg7[%arg1, %dma_start3A_135, %dma_start3A_140, %dma_start3A_141] : memref<16x3x8x4096xf32, #tpu.memory_space<vmem_shared>> -> memref<1x1x4x4096xf32, #tpu.memory_space<vmem_shared>>
      %dma_start3A_143 = tpu.memref_squeeze %dma_start3A_142 : memref<1x1x4x4096xf32, #tpu.memory_space<vmem_shared>> -> memref<4x4096xf32, #tpu.memory_space<vmem_shared>>
      tpu.enqueue_dma source(%arg6 : memref<4x4096xf32, #tpu.memory_space<vmem>>) target(%dma_start3A_143 : memref<4x4096xf32, #tpu.memory_space<vmem_shared>>) target_semaphore(%arg9 : memref<!tpu.dma_semaphore, #tpu.memory_space<semaphore_mem>>)
      %dma_wait3A_144 = arith.constant 1 : i32
      %dma_wait3A_145 = arith.constant 4 : i32
      %dma_wait3A_146 = arith.constant 0 : i32
      %dma_wait3A_147 = tpu.memref_slice %arg7[%arg1, %dma_wait3A_144, %dma_wait3A_145, %dma_wait3A_146] : memref<16x3x8x4096xf32, #tpu.memory_space<vmem_shared>> -> memref<1x1x4x4096xf32, #tpu.memory_space<vmem_shared>>
      %dma_wait3A_148 = tpu.memref_squeeze %dma_wait3A_147 : memref<1x1x4x4096xf32, #tpu.memory_space<vmem_shared>> -> memref<4x4096xf32, #tpu.memory_space<vmem_shared>>
      %dma_wait3A_149 = arith.constant 4 : i32
      %dma_wait3A_150 = arith.constant 0 : i32
      %dma_wait3A_151 = tpu.memref_slice %arg7[%arg1, %dma_wait3A_144, %dma_wait3A_149, %dma_wait3A_150] : memref<16x3x8x4096xf32, #tpu.memory_space<vmem_shared>> -> memref<1x1x4x4096xf32, #tpu.memory_space<vmem_shared>>
      %dma_wait3A_152 = tpu.memref_squeeze %dma_wait3A_151 : memref<1x1x4x4096xf32, #tpu.memory_space<vmem_shared>> -> memref<4x4096xf32, #tpu.memory_space<vmem_shared>>
      tpu.wait_dma2 semaphore(%arg9 : memref<!tpu.dma_semaphore, #tpu.memory_space<semaphore_mem>>) src(%arg6 : memref<4x4096xf32, #tpu.memory_space<vmem>>) dst(%dma_wait3A_152 : memref<4x4096xf32, #tpu.memory_space<vmem_shared>>)
      %dma_start3A_153 = arith.constant 2 : i32
      %dma_start3A_154 = arith.constant 0 : i32
      %dma_start3A_155 = arith.constant 0 : i32
      %dma_start3A_156 = tpu.memref_slice %arg7[%arg1, %dma_start3A_153, %dma_start3A_154, %dma_start3A_155] : memref<16x3x8x4096xf32, #tpu.memory_space<vmem_shared>> -> memref<1x1x4x4096xf32, #tpu.memory_space<vmem_shared>>
      %dma_start3A_157 = tpu.memref_squeeze %dma_start3A_156 : memref<1x1x4x4096xf32, #tpu.memory_space<vmem_shared>> -> memref<4x4096xf32, #tpu.memory_space<vmem_shared>>
      %dma_start3A_158 = arith.constant 0 : i32
      %dma_start3A_159 = arith.constant 0 : i32
      %dma_start3A_160 = tpu.memref_slice %arg7[%arg1, %dma_start3A_153, %dma_start3A_158, %dma_start3A_159] : memref<16x3x8x4096xf32, #tpu.memory_space<vmem_shared>> -> memref<1x1x4x4096xf32, #tpu.memory_space<vmem_shared>>
      %dma_start3A_161 = tpu.memref_squeeze %dma_start3A_160 : memref<1x1x4x4096xf32, #tpu.memory_space<vmem_shared>> -> memref<4x4096xf32, #tpu.memory_space<vmem_shared>>
      tpu.enqueue_dma source(%arg6 : memref<4x4096xf32, #tpu.memory_space<vmem>>) target(%dma_start3A_161 : memref<4x4096xf32, #tpu.memory_space<vmem_shared>>) target_semaphore(%arg10 : memref<!tpu.dma_semaphore, #tpu.memory_space<semaphore_mem>>)
      %dma_wait3A_162 = arith.constant 2 : i32
      %dma_wait3A_163 = arith.constant 0 : i32
      %dma_wait3A_164 = arith.constant 0 : i32
      %dma_wait3A_165 = tpu.memref_slice %arg7[%arg1, %dma_wait3A_162, %dma_wait3A_163, %dma_wait3A_164] : memref<16x3x8x4096xf32, #tpu.memory_space<vmem_shared>> -> memref<1x1x4x4096xf32, #tpu.memory_space<vmem_shared>>
      %dma_wait3A_166 = tpu.memref_squeeze %dma_wait3A_165 : memref<1x1x4x4096xf32, #tpu.memory_space<vmem_shared>> -> memref<4x4096xf32, #tpu.memory_space<vmem_shared>>
      %dma_wait3A_167 = arith.constant 0 : i32
      %dma_wait3A_168 = arith.constant 0 : i32
      %dma_wait3A_169 = tpu.memref_slice %arg7[%arg1, %dma_wait3A_162, %dma_wait3A_167, %dma_wait3A_168] : memref<16x3x8x4096xf32, #tpu.memory_space<vmem_shared>> -> memref<1x1x4x4096xf32, #tpu.memory_space<vmem_shared>>
      %dma_wait3A_170 = tpu.memref_squeeze %dma_wait3A_169 : memref<1x1x4x4096xf32, #tpu.memory_space<vmem_shared>> -> memref<4x4096xf32, #tpu.memory_space<vmem_shared>>
      tpu.wait_dma2 semaphore(%arg10 : memref<!tpu.dma_semaphore, #tpu.memory_space<semaphore_mem>>) src(%arg6 : memref<4x4096xf32, #tpu.memory_space<vmem>>) dst(%dma_wait3A_170 : memref<4x4096xf32, #tpu.memory_space<vmem_shared>>)
      %dma_start3A_171 = arith.constant 2 : i32
      %dma_start3A_172 = arith.constant 4 : i32
      %dma_start3A_173 = arith.constant 0 : i32
      %dma_start3A_174 = tpu.memref_slice %arg7[%arg1, %dma_start3A_171, %dma_start3A_172, %dma_start3A_173] : memref<16x3x8x4096xf32, #tpu.memory_space<vmem_shared>> -> memref<1x1x4x4096xf32, #tpu.memory_space<vmem_shared>>
      %dma_start3A_175 = tpu.memref_squeeze %dma_start3A_174 : memref<1x1x4x4096xf32, #tpu.memory_space<vmem_shared>> -> memref<4x4096xf32, #tpu.memory_space<vmem_shared>>
      %dma_start3A_176 = arith.constant 4 : i32
      %dma_start3A_177 = arith.constant 0 : i32
      %dma_start3A_178 = tpu.memref_slice %arg7[%arg1, %dma_start3A_171, %dma_start3A_176, %dma_start3A_177] : memref<16x3x8x4096xf32, #tpu.memory_space<vmem_shared>> -> memref<1x1x4x4096xf32, #tpu.memory_space<vmem_shared>>
      %dma_start3A_179 = tpu.memref_squeeze %dma_start3A_178 : memref<1x1x4x4096xf32, #tpu.memory_space<vmem_shared>> -> memref<4x4096xf32, #tpu.memory_space<vmem_shared>>
      tpu.enqueue_dma source(%arg6 : memref<4x4096xf32, #tpu.memory_space<vmem>>) target(%dma_start3A_179 : memref<4x4096xf32, #tpu.memory_space<vmem_shared>>) target_semaphore(%arg10 : memref<!tpu.dma_semaphore, #tpu.memory_space<semaphore_mem>>)
      %dma_wait3A_180 = arith.constant 2 : i32
      %dma_wait3A_181 = arith.constant 4 : i32
      %dma_wait3A_182 = arith.constant 0 : i32
      %dma_wait3A_183 = tpu.memref_slice %arg7[%arg1, %dma_wait3A_180, %dma_wait3A_181, %dma_wait3A_182] : memref<16x3x8x4096xf32, #tpu.memory_space<vmem_shared>> -> memref<1x1x4x4096xf32, #tpu.memory_space<vmem_shared>>
      %dma_wait3A_184 = tpu.memref_squeeze %dma_wait3A_183 : memref<1x1x4x4096xf32, #tpu.memory_space<vmem_shared>> -> memref<4x4096xf32, #tpu.memory_space<vmem_shared>>
      %dma_wait3A_185 = arith.constant 4 : i32
      %dma_wait3A_186 = arith.constant 0 : i32
      %dma_wait3A_187 = tpu.memref_slice %arg7[%arg1, %dma_wait3A_180, %dma_wait3A_185, %dma_wait3A_186] : memref<16x3x8x4096xf32, #tpu.memory_space<vmem_shared>> -> memref<1x1x4x4096xf32, #tpu.memory_space<vmem_shared>>
      %dma_wait3A_188 = tpu.memref_squeeze %dma_wait3A_187 : memref<1x1x4x4096xf32, #tpu.memory_space<vmem_shared>> -> memref<4x4096xf32, #tpu.memory_space<vmem_shared>>
      tpu.wait_dma2 semaphore(%arg10 : memref<!tpu.dma_semaphore, #tpu.memory_space<semaphore_mem>>) src(%arg6 : memref<4x4096xf32, #tpu.memory_space<vmem>>) dst(%dma_wait3A_188 : memref<4x4096xf32, #tpu.memory_space<vmem_shared>>)
    } else {
    }
    %convert_element_type3A_8 = arith.extui %ne3A_5 : i1 to i32
    %cond3A_9 = arith.constant 0 : i32
    %cond3A_10 = arith.cmpi ne, %convert_element_type3A_8, %cond3A_9 : i32
    scf.if %cond3A_10 {
      %add3A_74 = arith.constant 0 : i32
      %add3A_75 = arith.addi %mul3A_2, %add3A_74 : i32
      %dma_start3A_76 = arith.constant 0 : i32
      %dma_start3A_77 = arith.constant 0 : i32
      %dma_start3A_78 = arith.constant 0 : i32
      %dma_start3A_79 = tpu.memref_slice %arg7[%arg1, %dma_start3A_76, %dma_start3A_77, %dma_start3A_78] : memref<16x3x8x4096xf32, #tpu.memory_space<vmem_shared>> -> memref<1x1x8x4096xf32, #tpu.memory_space<vmem_shared>>
      %dma_start3A_80 = tpu.memref_squeeze %dma_start3A_79 : memref<1x1x8x4096xf32, #tpu.memory_space<vmem_shared>> -> memref<8x4096xf32, #tpu.memory_space<vmem_shared>>
      %dma_start3A_81 = arith.constant 0 : i32
      %dma_start3A_82 = tpu.memref_slice %arg2[%add3A_75, %dma_start3A_81] : memref<8192x4096xf32, #tpu.memory_space<hbm>> -> memref<8x4096xf32, #tpu.memory_space<hbm>>
      tpu.enqueue_dma source(%dma_start3A_82 : memref<8x4096xf32, #tpu.memory_space<hbm>>) target(%dma_start3A_80 : memref<8x4096xf32, #tpu.memory_space<vmem_shared>>) target_semaphore(%arg8 : memref<!tpu.dma_semaphore, #tpu.memory_space<semaphore_mem>>)
      %add3A_83 = arith.constant 8 : i32
      %add3A_84 = arith.addi %mul3A_2, %add3A_83 : i32
      %dma_start3A_85 = arith.constant 1 : i32
      %dma_start3A_86 = arith.constant 0 : i32
      %dma_start3A_87 = arith.constant 0 : i32
      %dma_start3A_88 = tpu.memref_slice %arg7[%arg1, %dma_start3A_85, %dma_start3A_86, %dma_start3A_87] : memref<16x3x8x4096xf32, #tpu.memory_space<vmem_shared>> -> memref<1x1x8x4096xf32, #tpu.memory_space<vmem_shared>>
      %dma_start3A_89 = tpu.memref_squeeze %dma_start3A_88 : memref<1x1x8x4096xf32, #tpu.memory_space<vmem_shared>> -> memref<8x4096xf32, #tpu.memory_space<vmem_shared>>
      %dma_start3A_90 = arith.constant 0 : i32
      %dma_start3A_91 = tpu.memref_slice %arg2[%add3A_84, %dma_start3A_90] : memref<8192x4096xf32, #tpu.memory_space<hbm>> -> memref<8x4096xf32, #tpu.memory_space<hbm>>
      tpu.enqueue_dma source(%dma_start3A_91 : memref<8x4096xf32, #tpu.memory_space<hbm>>) target(%dma_start3A_89 : memref<8x4096xf32, #tpu.memory_space<vmem_shared>>) target_semaphore(%arg9 : memref<!tpu.dma_semaphore, #tpu.memory_space<semaphore_mem>>)
    } else {
    }
    %scan3A = arith.constant 0 : i32
    %scan3A_11 = arith.constant 0 : i32
    %scan3A_12 = arith.constant 10 : i32
    %scan3A_13 = arith.addi %scan3A_11, %scan3A_12 : i32
    %scan3A_14 = arith.constant 1 : i32
    scf.for %scan3A_74 = %scan3A_11 to %scan3A_13 step %scan3A_14  : i32 {
      %mul3A_75 = arith.constant 3 : i32
      %mul3A_76 = arith.muli %scan3A_74, %mul3A_75 : i32
      %add3A_77 = arith.constant 0 : i32
      %add3A_78 = arith.addi %mul3A_76, %add3A_77 : i32
      %convert_element_type3A_79 = arith.extui %ne3A_5 : i1 to i32
      %cond3A_80 = arith.constant 0 : i32
      %cond3A_81 = arith.cmpi ne, %convert_element_type3A_79, %cond3A_80 : i32
      scf.if %cond3A_81 {
        %mul3A_163 = arith.constant 8 : i32
        %mul3A_164 = arith.muli %add3A_78, %mul3A_163 : i32
        %add3A_165 = arith.addi %mul3A_2, %mul3A_164 : i32
        %dma_wait3A_166 = arith.constant 0 : i32
        %dma_wait3A_167 = arith.constant 0 : i32
        %dma_wait3A_168 = arith.constant 0 : i32
        %dma_wait3A_169 = tpu.memref_slice %arg7[%arg1, %dma_wait3A_166, %dma_wait3A_167, %dma_wait3A_168] : memref<16x3x8x4096xf32, #tpu.memory_space<vmem_shared>> -> memref<1x1x8x4096xf32, #tpu.memory_space<vmem_shared>>
        %dma_wait3A_170 = tpu.memref_squeeze %dma_wait3A_169 : memref<1x1x8x4096xf32, #tpu.memory_space<vmem_shared>> -> memref<8x4096xf32, #tpu.memory_space<vmem_shared>>
        %dma_wait3A_171 = arith.constant 0 : i32
        %dma_wait3A_172 = tpu.memref_slice %arg2[%add3A_165, %dma_wait3A_171] : memref<8192x4096xf32, #tpu.memory_space<hbm>> -> memref<8x4096xf32, #tpu.memory_space<hbm>>
        tpu.wait_dma2 semaphore(%arg8 : memref<!tpu.dma_semaphore, #tpu.memory_space<semaphore_mem>>) src(%dma_wait3A_172 : memref<8x4096xf32, #tpu.memory_space<hbm>>) dst(%dma_wait3A_170 : memref<8x4096xf32, #tpu.memory_space<vmem_shared>>)
      } else {
      }
      %ge3A = arith.constant 1 : i32
      %ge3A_82 = arith.cmpi sge, %add3A_78, %ge3A : i32
      %convert_element_type3A_83 = arith.extui %ge3A_82 : i1 to i32
      %cond3A_84 = arith.constant 0 : i32
      %cond3A_85 = arith.cmpi ne, %convert_element_type3A_83, %cond3A_84 : i32
      scf.if %cond3A_85 {
        %sub3A = arith.constant 1 : i32
        %sub3A_163 = arith.subi %add3A_78, %sub3A : i32
        %mul3A_164 = arith.constant 8 : i32
        %mul3A_165 = arith.muli %sub3A_163, %mul3A_164 : i32
        %add3A_166 = arith.addi %mul3A_2, %mul3A_165 : i32
        %dma_wait3A_167 = arith.constant 2 : i32
        %dma_wait3A_168 = arith.constant 0 : i32
        %dma_wait3A_169 = tpu.memref_slice %arg4[%add3A_166, %dma_wait3A_168] : memref<8192x4096xf32, #tpu.memory_space<hbm>> -> memref<8x4096xf32, #tpu.memory_space<hbm>>
        %dma_wait3A_170 = arith.constant 0 : i32
        %dma_wait3A_171 = arith.constant 0 : i32
        %dma_wait3A_172 = tpu.memref_slice %arg7[%arg1, %dma_wait3A_167, %dma_wait3A_170, %dma_wait3A_171] : memref<16x3x8x4096xf32, #tpu.memory_space<vmem_shared>> -> memref<1x1x8x4096xf32, #tpu.memory_space<vmem_shared>>
        %dma_wait3A_173 = tpu.memref_squeeze %dma_wait3A_172 : memref<1x1x8x4096xf32, #tpu.memory_space<vmem_shared>> -> memref<8x4096xf32, #tpu.memory_space<vmem_shared>>
        tpu.wait_dma2 semaphore(%arg13 : memref<!tpu.dma_semaphore, #tpu.memory_space<semaphore_mem>>) src(%dma_wait3A_173 : memref<8x4096xf32, #tpu.memory_space<vmem_shared>>) dst(%dma_wait3A_169 : memref<8x4096xf32, #tpu.memory_space<hbm>>)
      } else {
      }
      %add3A_86 = arith.constant 2 : i32
      %add3A_87 = arith.addi %add3A_78, %add3A_86 : i32
      %lt3A = arith.constant 32 : i32
      %lt3A_88 = arith.cmpi slt, %add3A_87, %lt3A : i32
      %and3A_89 = arith.andi %ne3A_5, %lt3A_88 : i1
      %convert_element_type3A_90 = arith.extui %and3A_89 : i1 to i32
      %cond3A_91 = arith.constant 0 : i32
      %cond3A_92 = arith.cmpi ne, %convert_element_type3A_90, %cond3A_91 : i32
      scf.if %cond3A_92 {
        %add3A_163 = arith.constant 2 : i32
        %add3A_164 = arith.addi %add3A_78, %add3A_163 : i32
        %mul3A_165 = arith.constant 8 : i32
        %mul3A_166 = arith.muli %add3A_164, %mul3A_165 : i32
        %add3A_167 = arith.addi %mul3A_2, %mul3A_166 : i32
        %dma_start3A_168 = arith.constant 2 : i32
        %dma_start3A_169 = arith.constant 0 : i32
        %dma_start3A_170 = arith.constant 0 : i32
        %dma_start3A_171 = tpu.memref_slice %arg7[%arg1, %dma_start3A_168, %dma_start3A_169, %dma_start3A_170] : memref<16x3x8x4096xf32, #tpu.memory_space<vmem_shared>> -> memref<1x1x8x4096xf32, #tpu.memory_space<vmem_shared>>
        %dma_start3A_172 = tpu.memref_squeeze %dma_start3A_171 : memref<1x1x8x4096xf32, #tpu.memory_space<vmem_shared>> -> memref<8x4096xf32, #tpu.memory_space<vmem_shared>>
        %dma_start3A_173 = arith.constant 0 : i32
        %dma_start3A_174 = tpu.memref_slice %arg2[%add3A_167, %dma_start3A_173] : memref<8192x4096xf32, #tpu.memory_space<hbm>> -> memref<8x4096xf32, #tpu.memory_space<hbm>>
        tpu.enqueue_dma source(%dma_start3A_174 : memref<8x4096xf32, #tpu.memory_space<hbm>>) target(%dma_start3A_172 : memref<8x4096xf32, #tpu.memory_space<vmem_shared>>) target_semaphore(%arg10 : memref<!tpu.dma_semaphore, #tpu.memory_space<semaphore_mem>>)
      } else {
      }
      %mul3A_93 = arith.constant 8 : i32
      %mul3A_94 = arith.muli %add3A_78, %mul3A_93 : i32
      %add3A_95 = arith.addi %mul3A_2, %mul3A_94 : i32
      %dma_start3A_96 = arith.constant 0 : i32
      %dma_start3A_97 = arith.constant 0 : i32
      %dma_start3A_98 = tpu.memref_slice %arg4[%add3A_95, %dma_start3A_97] : memref<8192x4096xf32, #tpu.memory_space<hbm>> -> memref<8x4096xf32, #tpu.memory_space<hbm>>
      %dma_start3A_99 = arith.constant 0 : i32
      %dma_start3A_100 = arith.constant 0 : i32
      %dma_start3A_101 = tpu.memref_slice %arg7[%arg1, %dma_start3A_96, %dma_start3A_99, %dma_start3A_100] : memref<16x3x8x4096xf32, #tpu.memory_space<vmem_shared>> -> memref<1x1x8x4096xf32, #tpu.memory_space<vmem_shared>>
      %dma_start3A_102 = tpu.memref_squeeze %dma_start3A_101 : memref<1x1x8x4096xf32, #tpu.memory_space<vmem_shared>> -> memref<8x4096xf32, #tpu.memory_space<vmem_shared>>
      tpu.enqueue_dma source(%dma_start3A_102 : memref<8x4096xf32, #tpu.memory_space<vmem_shared>>) target(%dma_start3A_98 : memref<8x4096xf32, #tpu.memory_space<hbm>>) target_semaphore(%arg11 : memref<!tpu.dma_semaphore, #tpu.memory_space<semaphore_mem>>)
      %mul3A_103 = arith.constant 3 : i32
      %mul3A_104 = arith.muli %scan3A_74, %mul3A_103 : i32
      %add3A_105 = arith.constant 1 : i32
      %add3A_106 = arith.addi %mul3A_104, %add3A_105 : i32
      %convert_element_type3A_107 = arith.extui %ne3A_5 : i1 to i32
      %cond3A_108 = arith.constant 0 : i32
      %cond3A_109 = arith.cmpi ne, %convert_element_type3A_107, %cond3A_108 : i32
      scf.if %cond3A_109 {
        %mul3A_163 = arith.constant 8 : i32
        %mul3A_164 = arith.muli %add3A_106, %mul3A_163 : i32
        %add3A_165 = arith.addi %mul3A_2, %mul3A_164 : i32
        %dma_wait3A_166 = arith.constant 1 : i32
        %dma_wait3A_167 = arith.constant 0 : i32
        %dma_wait3A_168 = arith.constant 0 : i32
        %dma_wait3A_169 = tpu.memref_slice %arg7[%arg1, %dma_wait3A_166, %dma_wait3A_167, %dma_wait3A_168] : memref<16x3x8x4096xf32, #tpu.memory_space<vmem_shared>> -> memref<1x1x8x4096xf32, #tpu.memory_space<vmem_shared>>
        %dma_wait3A_170 = tpu.memref_squeeze %dma_wait3A_169 : memref<1x1x8x4096xf32, #tpu.memory_space<vmem_shared>> -> memref<8x4096xf32, #tpu.memory_space<vmem_shared>>
        %dma_wait3A_171 = arith.constant 0 : i32
        %dma_wait3A_172 = tpu.memref_slice %arg2[%add3A_165, %dma_wait3A_171] : memref<8192x4096xf32, #tpu.memory_space<hbm>> -> memref<8x4096xf32, #tpu.memory_space<hbm>>
        tpu.wait_dma2 semaphore(%arg9 : memref<!tpu.dma_semaphore, #tpu.memory_space<semaphore_mem>>) src(%dma_wait3A_172 : memref<8x4096xf32, #tpu.memory_space<hbm>>) dst(%dma_wait3A_170 : memref<8x4096xf32, #tpu.memory_space<vmem_shared>>)
      } else {
      }
      %ge3A_110 = arith.constant 1 : i32
      %ge3A_111 = arith.cmpi sge, %add3A_106, %ge3A_110 : i32
      %convert_element_type3A_112 = arith.extui %ge3A_111 : i1 to i32
      %cond3A_113 = arith.constant 0 : i32
      %cond3A_114 = arith.cmpi ne, %convert_element_type3A_112, %cond3A_113 : i32
      scf.if %cond3A_114 {
        %sub3A = arith.constant 1 : i32
        %sub3A_163 = arith.subi %add3A_106, %sub3A : i32
        %mul3A_164 = arith.constant 8 : i32
        %mul3A_165 = arith.muli %sub3A_163, %mul3A_164 : i32
        %add3A_166 = arith.addi %mul3A_2, %mul3A_165 : i32
        %dma_wait3A_167 = arith.constant 0 : i32
        %dma_wait3A_168 = arith.constant 0 : i32
        %dma_wait3A_169 = tpu.memref_slice %arg4[%add3A_166, %dma_wait3A_168] : memref<8192x4096xf32, #tpu.memory_space<hbm>> -> memref<8x4096xf32, #tpu.memory_space<hbm>>
        %dma_wait3A_170 = arith.constant 0 : i32
        %dma_wait3A_171 = arith.constant 0 : i32
        %dma_wait3A_172 = tpu.memref_slice %arg7[%arg1, %dma_wait3A_167, %dma_wait3A_170, %dma_wait3A_171] : memref<16x3x8x4096xf32, #tpu.memory_space<vmem_shared>> -> memref<1x1x8x4096xf32, #tpu.memory_space<vmem_shared>>
        %dma_wait3A_173 = tpu.memref_squeeze %dma_wait3A_172 : memref<1x1x8x4096xf32, #tpu.memory_space<vmem_shared>> -> memref<8x4096xf32, #tpu.memory_space<vmem_shared>>
        tpu.wait_dma2 semaphore(%arg11 : memref<!tpu.dma_semaphore, #tpu.memory_space<semaphore_mem>>) src(%dma_wait3A_173 : memref<8x4096xf32, #tpu.memory_space<vmem_shared>>) dst(%dma_wait3A_169 : memref<8x4096xf32, #tpu.memory_space<hbm>>)
      } else {
      }
      %add3A_115 = arith.constant 2 : i32
      %add3A_116 = arith.addi %add3A_106, %add3A_115 : i32
      %lt3A_117 = arith.constant 32 : i32
      %lt3A_118 = arith.cmpi slt, %add3A_116, %lt3A_117 : i32
      %and3A_119 = arith.andi %ne3A_5, %lt3A_118 : i1
      %convert_element_type3A_120 = arith.extui %and3A_119 : i1 to i32
      %cond3A_121 = arith.constant 0 : i32
      %cond3A_122 = arith.cmpi ne, %convert_element_type3A_120, %cond3A_121 : i32
      scf.if %cond3A_122 {
        %add3A_163 = arith.constant 2 : i32
        %add3A_164 = arith.addi %add3A_106, %add3A_163 : i32
        %mul3A_165 = arith.constant 8 : i32
        %mul3A_166 = arith.muli %add3A_164, %mul3A_165 : i32
        %add3A_167 = arith.addi %mul3A_2, %mul3A_166 : i32
        %dma_start3A_168 = arith.constant 0 : i32
        %dma_start3A_169 = arith.constant 0 : i32
        %dma_start3A_170 = arith.constant 0 : i32
        %dma_start3A_171 = tpu.memref_slice %arg7[%arg1, %dma_start3A_168, %dma_start3A_169, %dma_start3A_170] : memref<16x3x8x4096xf32, #tpu.memory_space<vmem_shared>> -> memref<1x1x8x4096xf32, #tpu.memory_space<vmem_shared>>
        %dma_start3A_172 = tpu.memref_squeeze %dma_start3A_171 : memref<1x1x8x4096xf32, #tpu.memory_space<vmem_shared>> -> memref<8x4096xf32, #tpu.memory_space<vmem_shared>>
        %dma_start3A_173 = arith.constant 0 : i32
        %dma_start3A_174 = tpu.memref_slice %arg2[%add3A_167, %dma_start3A_173] : memref<8192x4096xf32, #tpu.memory_space<hbm>> -> memref<8x4096xf32, #tpu.memory_space<hbm>>
        tpu.enqueue_dma source(%dma_start3A_174 : memref<8x4096xf32, #tpu.memory_space<hbm>>) target(%dma_start3A_172 : memref<8x4096xf32, #tpu.memory_space<vmem_shared>>) target_semaphore(%arg8 : memref<!tpu.dma_semaphore, #tpu.memory_space<semaphore_mem>>)
      } else {
      }
      %mul3A_123 = arith.constant 8 : i32
      %mul3A_124 = arith.muli %add3A_106, %mul3A_123 : i32
      %add3A_125 = arith.addi %mul3A_2, %mul3A_124 : i32
      %dma_start3A_126 = arith.constant 1 : i32
      %dma_start3A_127 = arith.constant 0 : i32
      %dma_start3A_128 = tpu.memref_slice %arg4[%add3A_125, %dma_start3A_127] : memref<8192x4096xf32, #tpu.memory_space<hbm>> -> memref<8x4096xf32, #tpu.memory_space<hbm>>
      %dma_start3A_129 = arith.constant 0 : i32
      %dma_start3A_130 = arith.constant 0 : i32
      %dma_start3A_131 = tpu.memref_slice %arg7[%arg1, %dma_start3A_126, %dma_start3A_129, %dma_start3A_130] : memref<16x3x8x4096xf32, #tpu.memory_space<vmem_shared>> -> memref<1x1x8x4096xf32, #tpu.memory_space<vmem_shared>>
      %dma_start3A_132 = tpu.memref_squeeze %dma_start3A_131 : memref<1x1x8x4096xf32, #tpu.memory_space<vmem_shared>> -> memref<8x4096xf32, #tpu.memory_space<vmem_shared>>
      tpu.enqueue_dma source(%dma_start3A_132 : memref<8x4096xf32, #tpu.memory_space<vmem_shared>>) target(%dma_start3A_128 : memref<8x4096xf32, #tpu.memory_space<hbm>>) target_semaphore(%arg12 : memref<!tpu.dma_semaphore, #tpu.memory_space<semaphore_mem>>)
      %mul3A_133 = arith.constant 3 : i32
      %mul3A_134 = arith.muli %scan3A_74, %mul3A_133 : i32
      %add3A_135 = arith.constant 2 : i32
      %add3A_136 = arith.addi %mul3A_134, %add3A_135 : i32
      %convert_element_type3A_137 = arith.extui %ne3A_5 : i1 to i32
      %cond3A_138 = arith.constant 0 : i32
      %cond3A_139 = arith.cmpi ne, %convert_element_type3A_137, %cond3A_138 : i32
      scf.if %cond3A_139 {
        %mul3A_163 = arith.constant 8 : i32
        %mul3A_164 = arith.muli %add3A_136, %mul3A_163 : i32
        %add3A_165 = arith.addi %mul3A_2, %mul3A_164 : i32
        %dma_wait3A_166 = arith.constant 2 : i32
        %dma_wait3A_167 = arith.constant 0 : i32
        %dma_wait3A_168 = arith.constant 0 : i32
        %dma_wait3A_169 = tpu.memref_slice %arg7[%arg1, %dma_wait3A_166, %dma_wait3A_167, %dma_wait3A_168] : memref<16x3x8x4096xf32, #tpu.memory_space<vmem_shared>> -> memref<1x1x8x4096xf32, #tpu.memory_space<vmem_shared>>
        %dma_wait3A_170 = tpu.memref_squeeze %dma_wait3A_169 : memref<1x1x8x4096xf32, #tpu.memory_space<vmem_shared>> -> memref<8x4096xf32, #tpu.memory_space<vmem_shared>>
        %dma_wait3A_171 = arith.constant 0 : i32
        %dma_wait3A_172 = tpu.memref_slice %arg2[%add3A_165, %dma_wait3A_171] : memref<8192x4096xf32, #tpu.memory_space<hbm>> -> memref<8x4096xf32, #tpu.memory_space<hbm>>
        tpu.wait_dma2 semaphore(%arg10 : memref<!tpu.dma_semaphore, #tpu.memory_space<semaphore_mem>>) src(%dma_wait3A_172 : memref<8x4096xf32, #tpu.memory_space<hbm>>) dst(%dma_wait3A_170 : memref<8x4096xf32, #tpu.memory_space<vmem_shared>>)
      } else {
      }
      %ge3A_140 = arith.constant 1 : i32
      %ge3A_141 = arith.cmpi sge, %add3A_136, %ge3A_140 : i32
      %convert_element_type3A_142 = arith.extui %ge3A_141 : i1 to i32
      %cond3A_143 = arith.constant 0 : i32
      %cond3A_144 = arith.cmpi ne, %convert_element_type3A_142, %cond3A_143 : i32
      scf.if %cond3A_144 {
        %sub3A = arith.constant 1 : i32
        %sub3A_163 = arith.subi %add3A_136, %sub3A : i32
        %mul3A_164 = arith.constant 8 : i32
        %mul3A_165 = arith.muli %sub3A_163, %mul3A_164 : i32
        %add3A_166 = arith.addi %mul3A_2, %mul3A_165 : i32
        %dma_wait3A_167 = arith.constant 1 : i32
        %dma_wait3A_168 = arith.constant 0 : i32
        %dma_wait3A_169 = tpu.memref_slice %arg4[%add3A_166, %dma_wait3A_168] : memref<8192x4096xf32, #tpu.memory_space<hbm>> -> memref<8x4096xf32, #tpu.memory_space<hbm>>
        %dma_wait3A_170 = arith.constant 0 : i32
        %dma_wait3A_171 = arith.constant 0 : i32
        %dma_wait3A_172 = tpu.memref_slice %arg7[%arg1, %dma_wait3A_167, %dma_wait3A_170, %dma_wait3A_171] : memref<16x3x8x4096xf32, #tpu.memory_space<vmem_shared>> -> memref<1x1x8x4096xf32, #tpu.memory_space<vmem_shared>>
        %dma_wait3A_173 = tpu.memref_squeeze %dma_wait3A_172 : memref<1x1x8x4096xf32, #tpu.memory_space<vmem_shared>> -> memref<8x4096xf32, #tpu.memory_space<vmem_shared>>
        tpu.wait_dma2 semaphore(%arg12 : memref<!tpu.dma_semaphore, #tpu.memory_space<semaphore_mem>>) src(%dma_wait3A_173 : memref<8x4096xf32, #tpu.memory_space<vmem_shared>>) dst(%dma_wait3A_169 : memref<8x4096xf32, #tpu.memory_space<hbm>>)
      } else {
      }
      %add3A_145 = arith.constant 2 : i32
      %add3A_146 = arith.addi %add3A_136, %add3A_145 : i32
      %lt3A_147 = arith.constant 32 : i32
      %lt3A_148 = arith.cmpi slt, %add3A_146, %lt3A_147 : i32
      %and3A_149 = arith.andi %ne3A_5, %lt3A_148 : i1
      %convert_element_type3A_150 = arith.extui %and3A_149 : i1 to i32
      %cond3A_151 = arith.constant 0 : i32
      %cond3A_152 = arith.cmpi ne, %convert_element_type3A_150, %cond3A_151 : i32
      scf.if %cond3A_152 {
        %add3A_163 = arith.constant 2 : i32
        %add3A_164 = arith.addi %add3A_136, %add3A_163 : i32
        %mul3A_165 = arith.constant 8 : i32
        %mul3A_166 = arith.muli %add3A_164, %mul3A_165 : i32
        %add3A_167 = arith.addi %mul3A_2, %mul3A_166 : i32
        %dma_start3A_168 = arith.constant 1 : i32
        %dma_start3A_169 = arith.constant 0 : i32
        %dma_start3A_170 = arith.constant 0 : i32
        %dma_start3A_171 = tpu.memref_slice %arg7[%arg1, %dma_start3A_168, %dma_start3A_169, %dma_start3A_170] : memref<16x3x8x4096xf32, #tpu.memory_space<vmem_shared>> -> memref<1x1x8x4096xf32, #tpu.memory_space<vmem_shared>>
        %dma_start3A_172 = tpu.memref_squeeze %dma_start3A_171 : memref<1x1x8x4096xf32, #tpu.memory_space<vmem_shared>> -> memref<8x4096xf32, #tpu.memory_space<vmem_shared>>
        %dma_start3A_173 = arith.constant 0 : i32
        %dma_start3A_174 = tpu.memref_slice %arg2[%add3A_167, %dma_start3A_173] : memref<8192x4096xf32, #tpu.memory_space<hbm>> -> memref<8x4096xf32, #tpu.memory_space<hbm>>
        tpu.enqueue_dma source(%dma_start3A_174 : memref<8x4096xf32, #tpu.memory_space<hbm>>) target(%dma_start3A_172 : memref<8x4096xf32, #tpu.memory_space<vmem_shared>>) target_semaphore(%arg9 : memref<!tpu.dma_semaphore, #tpu.memory_space<semaphore_mem>>)
      } else {
      }
      %mul3A_153 = arith.constant 8 : i32
      %mul3A_154 = arith.muli %add3A_136, %mul3A_153 : i32
      %add3A_155 = arith.addi %mul3A_2, %mul3A_154 : i32
      %dma_start3A_156 = arith.constant 2 : i32
      %dma_start3A_157 = arith.constant 0 : i32
      %dma_start3A_158 = tpu.memref_slice %arg4[%add3A_155, %dma_start3A_157] : memref<8192x4096xf32, #tpu.memory_space<hbm>> -> memref<8x4096xf32, #tpu.memory_space<hbm>>
      %dma_start3A_159 = arith.constant 0 : i32
      %dma_start3A_160 = arith.constant 0 : i32
      %dma_start3A_161 = tpu.memref_slice %arg7[%arg1, %dma_start3A_156, %dma_start3A_159, %dma_start3A_160] : memref<16x3x8x4096xf32, #tpu.memory_space<vmem_shared>> -> memref<1x1x8x4096xf32, #tpu.memory_space<vmem_shared>>
      %dma_start3A_162 = tpu.memref_squeeze %dma_start3A_161 : memref<1x1x8x4096xf32, #tpu.memory_space<vmem_shared>> -> memref<8x4096xf32, #tpu.memory_space<vmem_shared>>
      tpu.enqueue_dma source(%dma_start3A_162 : memref<8x4096xf32, #tpu.memory_space<vmem_shared>>) target(%dma_start3A_158 : memref<8x4096xf32, #tpu.memory_space<hbm>>) target_semaphore(%arg13 : memref<!tpu.dma_semaphore, #tpu.memory_space<semaphore_mem>>)
    }
    %scan3A_15 = arith.constant 10 : i32
    %convert_element_type3A_16 = arith.extui %ne3A_5 : i1 to i32
    %cond3A_17 = arith.constant 0 : i32
    %cond3A_18 = arith.cmpi ne, %convert_element_type3A_16, %cond3A_17 : i32
    scf.if %cond3A_18 {
      %add3A_74 = arith.constant 240 : i32
      %add3A_75 = arith.addi %mul3A_2, %add3A_74 : i32
      %dma_wait3A_76 = arith.constant 0 : i32
      %dma_wait3A_77 = arith.constant 0 : i32
      %dma_wait3A_78 = arith.constant 0 : i32
      %dma_wait3A_79 = tpu.memref_slice %arg7[%arg1, %dma_wait3A_76, %dma_wait3A_77, %dma_wait3A_78] : memref<16x3x8x4096xf32, #tpu.memory_space<vmem_shared>> -> memref<1x1x8x4096xf32, #tpu.memory_space<vmem_shared>>
      %dma_wait3A_80 = tpu.memref_squeeze %dma_wait3A_79 : memref<1x1x8x4096xf32, #tpu.memory_space<vmem_shared>> -> memref<8x4096xf32, #tpu.memory_space<vmem_shared>>
      %dma_wait3A_81 = arith.constant 0 : i32
      %dma_wait3A_82 = tpu.memref_slice %arg2[%add3A_75, %dma_wait3A_81] : memref<8192x4096xf32, #tpu.memory_space<hbm>> -> memref<8x4096xf32, #tpu.memory_space<hbm>>
      tpu.wait_dma2 semaphore(%arg8 : memref<!tpu.dma_semaphore, #tpu.memory_space<semaphore_mem>>) src(%dma_wait3A_82 : memref<8x4096xf32, #tpu.memory_space<hbm>>) dst(%dma_wait3A_80 : memref<8x4096xf32, #tpu.memory_space<vmem_shared>>)
    } else {
    }
    %add3A_19 = arith.constant 232 : i32
    %add3A_20 = arith.addi %mul3A_2, %add3A_19 : i32
    %dma_wait3A = arith.constant 2 : i32
    %dma_wait3A_21 = arith.constant 0 : i32
    %dma_wait3A_22 = tpu.memref_slice %arg4[%add3A_20, %dma_wait3A_21] : memref<8192x4096xf32, #tpu.memory_space<hbm>> -> memref<8x4096xf32, #tpu.memory_space<hbm>>
    %dma_wait3A_23 = arith.constant 0 : i32
    %dma_wait3A_24 = arith.constant 0 : i32
    %dma_wait3A_25 = tpu.memref_slice %arg7[%arg1, %dma_wait3A, %dma_wait3A_23, %dma_wait3A_24] : memref<16x3x8x4096xf32, #tpu.memory_space<vmem_shared>> -> memref<1x1x8x4096xf32, #tpu.memory_space<vmem_shared>>
    %dma_wait3A_26 = tpu.memref_squeeze %dma_wait3A_25 : memref<1x1x8x4096xf32, #tpu.memory_space<vmem_shared>> -> memref<8x4096xf32, #tpu.memory_space<vmem_shared>>
    tpu.wait_dma2 semaphore(%arg13 : memref<!tpu.dma_semaphore, #tpu.memory_space<semaphore_mem>>) src(%dma_wait3A_26 : memref<8x4096xf32, #tpu.memory_space<vmem_shared>>) dst(%dma_wait3A_22 : memref<8x4096xf32, #tpu.memory_space<hbm>>)
    %and3A = arith.constant false
    %and3A_27 = arith.andi %ne3A_5, %and3A : i1
    %convert_element_type3A_28 = arith.extui %and3A_27 : i1 to i32
    %cond3A_29 = arith.constant 0 : i32
    %cond3A_30 = arith.cmpi ne, %convert_element_type3A_28, %cond3A_29 : i32
    scf.if %cond3A_30 {
      %add3A_74 = arith.constant 256 : i32
      %add3A_75 = arith.addi %mul3A_2, %add3A_74 : i32
      %dma_start3A_76 = arith.constant 2 : i32
      %dma_start3A_77 = arith.constant 0 : i32
      %dma_start3A_78 = arith.constant 0 : i32
      %dma_start3A_79 = tpu.memref_slice %arg7[%arg1, %dma_start3A_76, %dma_start3A_77, %dma_start3A_78] : memref<16x3x8x4096xf32, #tpu.memory_space<vmem_shared>> -> memref<1x1x8x4096xf32, #tpu.memory_space<vmem_shared>>
      %dma_start3A_80 = tpu.memref_squeeze %dma_start3A_79 : memref<1x1x8x4096xf32, #tpu.memory_space<vmem_shared>> -> memref<8x4096xf32, #tpu.memory_space<vmem_shared>>
      %dma_start3A_81 = arith.constant 0 : i32
      %dma_start3A_82 = tpu.memref_slice %arg2[%add3A_75, %dma_start3A_81] : memref<8192x4096xf32, #tpu.memory_space<hbm>> -> memref<8x4096xf32, #tpu.memory_space<hbm>>
      tpu.enqueue_dma source(%dma_start3A_82 : memref<8x4096xf32, #tpu.memory_space<hbm>>) target(%dma_start3A_80 : memref<8x4096xf32, #tpu.memory_space<vmem_shared>>) target_semaphore(%arg10 : memref<!tpu.dma_semaphore, #tpu.memory_space<semaphore_mem>>)
    } else {
    }
    %add3A_31 = arith.constant 240 : i32
    %add3A_32 = arith.addi %mul3A_2, %add3A_31 : i32
    %dma_start3A = arith.constant 0 : i32
    %dma_start3A_33 = arith.constant 0 : i32
    %dma_start3A_34 = tpu.memref_slice %arg4[%add3A_32, %dma_start3A_33] : memref<8192x4096xf32, #tpu.memory_space<hbm>> -> memref<8x4096xf32, #tpu.memory_space<hbm>>
    %dma_start3A_35 = arith.constant 0 : i32
    %dma_start3A_36 = arith.constant 0 : i32
    %dma_start3A_37 = tpu.memref_slice %arg7[%arg1, %dma_start3A, %dma_start3A_35, %dma_start3A_36] : memref<16x3x8x4096xf32, #tpu.memory_space<vmem_shared>> -> memref<1x1x8x4096xf32, #tpu.memory_space<vmem_shared>>
    %dma_start3A_38 = tpu.memref_squeeze %dma_start3A_37 : memref<1x1x8x4096xf32, #tpu.memory_space<vmem_shared>> -> memref<8x4096xf32, #tpu.memory_space<vmem_shared>>
    tpu.enqueue_dma source(%dma_start3A_38 : memref<8x4096xf32, #tpu.memory_space<vmem_shared>>) target(%dma_start3A_34 : memref<8x4096xf32, #tpu.memory_space<hbm>>) target_semaphore(%arg11 : memref<!tpu.dma_semaphore, #tpu.memory_space<semaphore_mem>>)
    %convert_element_type3A_39 = arith.extui %ne3A_5 : i1 to i32
    %cond3A_40 = arith.constant 0 : i32
    %cond3A_41 = arith.cmpi ne, %convert_element_type3A_39, %cond3A_40 : i32
    scf.if %cond3A_41 {
      %add3A_74 = arith.constant 248 : i32
      %add3A_75 = arith.addi %mul3A_2, %add3A_74 : i32
      %dma_wait3A_76 = arith.constant 1 : i32
      %dma_wait3A_77 = arith.constant 0 : i32
      %dma_wait3A_78 = arith.constant 0 : i32
      %dma_wait3A_79 = tpu.memref_slice %arg7[%arg1, %dma_wait3A_76, %dma_wait3A_77, %dma_wait3A_78] : memref<16x3x8x4096xf32, #tpu.memory_space<vmem_shared>> -> memref<1x1x8x4096xf32, #tpu.memory_space<vmem_shared>>
      %dma_wait3A_80 = tpu.memref_squeeze %dma_wait3A_79 : memref<1x1x8x4096xf32, #tpu.memory_space<vmem_shared>> -> memref<8x4096xf32, #tpu.memory_space<vmem_shared>>
      %dma_wait3A_81 = arith.constant 0 : i32
      %dma_wait3A_82 = tpu.memref_slice %arg2[%add3A_75, %dma_wait3A_81] : memref<8192x4096xf32, #tpu.memory_space<hbm>> -> memref<8x4096xf32, #tpu.memory_space<hbm>>
      tpu.wait_dma2 semaphore(%arg9 : memref<!tpu.dma_semaphore, #tpu.memory_space<semaphore_mem>>) src(%dma_wait3A_82 : memref<8x4096xf32, #tpu.memory_space<hbm>>) dst(%dma_wait3A_80 : memref<8x4096xf32, #tpu.memory_space<vmem_shared>>)
    } else {
    }
    %add3A_42 = arith.constant 240 : i32
    %add3A_43 = arith.addi %mul3A_2, %add3A_42 : i32
    %dma_wait3A_44 = arith.constant 0 : i32
    %dma_wait3A_45 = arith.constant 0 : i32
    %dma_wait3A_46 = tpu.memref_slice %arg4[%add3A_43, %dma_wait3A_45] : memref<8192x4096xf32, #tpu.memory_space<hbm>> -> memref<8x4096xf32, #tpu.memory_space<hbm>>
    %dma_wait3A_47 = arith.constant 0 : i32
    %dma_wait3A_48 = arith.constant 0 : i32
    %dma_wait3A_49 = tpu.memref_slice %arg7[%arg1, %dma_wait3A_44, %dma_wait3A_47, %dma_wait3A_48] : memref<16x3x8x4096xf32, #tpu.memory_space<vmem_shared>> -> memref<1x1x8x4096xf32, #tpu.memory_space<vmem_shared>>
    %dma_wait3A_50 = tpu.memref_squeeze %dma_wait3A_49 : memref<1x1x8x4096xf32, #tpu.memory_space<vmem_shared>> -> memref<8x4096xf32, #tpu.memory_space<vmem_shared>>
    tpu.wait_dma2 semaphore(%arg11 : memref<!tpu.dma_semaphore, #tpu.memory_space<semaphore_mem>>) src(%dma_wait3A_50 : memref<8x4096xf32, #tpu.memory_space<vmem_shared>>) dst(%dma_wait3A_46 : memref<8x4096xf32, #tpu.memory_space<hbm>>)
    %and3A_51 = arith.constant false
    %and3A_52 = arith.andi %ne3A_5, %and3A_51 : i1
    %convert_element_type3A_53 = arith.extui %and3A_52 : i1 to i32
    %cond3A_54 = arith.constant 0 : i32
    %cond3A_55 = arith.cmpi ne, %convert_element_type3A_53, %cond3A_54 : i32
    scf.if %cond3A_55 {
      %add3A_74 = arith.constant 264 : i32
      %add3A_75 = arith.addi %mul3A_2, %add3A_74 : i32
      %dma_start3A_76 = arith.constant 0 : i32
      %dma_start3A_77 = arith.constant 0 : i32
      %dma_start3A_78 = arith.constant 0 : i32
      %dma_start3A_79 = tpu.memref_slice %arg7[%arg1, %dma_start3A_76, %dma_start3A_77, %dma_start3A_78] : memref<16x3x8x4096xf32, #tpu.memory_space<vmem_shared>> -> memref<1x1x8x4096xf32, #tpu.memory_space<vmem_shared>>
      %dma_start3A_80 = tpu.memref_squeeze %dma_start3A_79 : memref<1x1x8x4096xf32, #tpu.memory_space<vmem_shared>> -> memref<8x4096xf32, #tpu.memory_space<vmem_shared>>
      %dma_start3A_81 = arith.constant 0 : i32
      %dma_start3A_82 = tpu.memref_slice %arg2[%add3A_75, %dma_start3A_81] : memref<8192x4096xf32, #tpu.memory_space<hbm>> -> memref<8x4096xf32, #tpu.memory_space<hbm>>
      tpu.enqueue_dma source(%dma_start3A_82 : memref<8x4096xf32, #tpu.memory_space<hbm>>) target(%dma_start3A_80 : memref<8x4096xf32, #tpu.memory_space<vmem_shared>>) target_semaphore(%arg8 : memref<!tpu.dma_semaphore, #tpu.memory_space<semaphore_mem>>)
    } else {
    }
    %add3A_56 = arith.constant 248 : i32
    %add3A_57 = arith.addi %mul3A_2, %add3A_56 : i32
    %dma_start3A_58 = arith.constant 1 : i32
    %dma_start3A_59 = arith.constant 0 : i32
    %dma_start3A_60 = tpu.memref_slice %arg4[%add3A_57, %dma_start3A_59] : memref<8192x4096xf32, #tpu.memory_space<hbm>> -> memref<8x4096xf32, #tpu.memory_space<hbm>>
    %dma_start3A_61 = arith.constant 0 : i32
    %dma_start3A_62 = arith.constant 0 : i32
    %dma_start3A_63 = tpu.memref_slice %arg7[%arg1, %dma_start3A_58, %dma_start3A_61, %dma_start3A_62] : memref<16x3x8x4096xf32, #tpu.memory_space<vmem_shared>> -> memref<1x1x8x4096xf32, #tpu.memory_space<vmem_shared>>
    %dma_start3A_64 = tpu.memref_squeeze %dma_start3A_63 : memref<1x1x8x4096xf32, #tpu.memory_space<vmem_shared>> -> memref<8x4096xf32, #tpu.memory_space<vmem_shared>>
    tpu.enqueue_dma source(%dma_start3A_64 : memref<8x4096xf32, #tpu.memory_space<vmem_shared>>) target(%dma_start3A_60 : memref<8x4096xf32, #tpu.memory_space<hbm>>) target_semaphore(%arg12 : memref<!tpu.dma_semaphore, #tpu.memory_space<semaphore_mem>>)
    %add3A_65 = arith.constant 248 : i32
    %add3A_66 = arith.addi %mul3A_2, %add3A_65 : i32
    %dma_wait3A_67 = arith.constant 1 : i32
    %dma_wait3A_68 = arith.constant 0 : i32
    %dma_wait3A_69 = tpu.memref_slice %arg4[%add3A_66, %dma_wait3A_68] : memref<8192x4096xf32, #tpu.memory_space<hbm>> -> memref<8x4096xf32, #tpu.memory_space<hbm>>
    %dma_wait3A_70 = arith.constant 0 : i32
    %dma_wait3A_71 = arith.constant 0 : i32
    %dma_wait3A_72 = tpu.memref_slice %arg7[%arg1, %dma_wait3A_67, %dma_wait3A_70, %dma_wait3A_71] : memref<16x3x8x4096xf32, #tpu.memory_space<vmem_shared>> -> memref<1x1x8x4096xf32, #tpu.memory_space<vmem_shared>>
    %dma_wait3A_73 = tpu.memref_squeeze %dma_wait3A_72 : memref<1x1x8x4096xf32, #tpu.memory_space<vmem_shared>> -> memref<8x4096xf32, #tpu.memory_space<vmem_shared>>
    tpu.wait_dma2 semaphore(%arg12 : memref<!tpu.dma_semaphore, #tpu.memory_space<semaphore_mem>>) src(%dma_wait3A_73 : memref<8x4096xf32, #tpu.memory_space<vmem_shared>>) dst(%dma_wait3A_69 : memref<8x4096xf32, #tpu.memory_space<hbm>>)
    return
  }
}

</mosaic_0001>

<sc_bundles>
// kernel: _sc_copy.3.cloned.1.call-start
scs
__scs_entry_jumppad:
0x0: {  	(pc) =	sbr.rel $0x88, $3  }
0x1: {  	(tag) =	ssettag $0x0;
	lr =	simm.s32 $0x1  }
0x2: {  	[smem:$0x3F9F] =	sst lr;
	_ =	strace $0xD0000000  }
0x3: {  	_ = 	snop  }
0x4: {  	_ = 	snop  }
0x5: {  	_ = 	snop  }
0x6: {  	_ = 	snop  }
0x7: {  	_ = 	snop  }
__scs_overlays_trampoline_lowered:
0x8: {  	[smem:$0x3FAE] =	sst s0  }
0x9: {  	[smem:$0x3FAF] =	sst s1  }
0xa: {  	[smem:$0x3FB0] =	sst s2  }
0xb: {  	[smem:$0x3FB1] =	sst s3  }
0xc: {  	[smem:$0x3FB2] =	sst s4  }
0xd: {  	[smem:$0x3FB3] =	sst s5  }
0xe: {  	[smem:$0x3FB4] =	sst s6  }
0xf: {  	[smem:$0x3FB5] =	sst s7  }
0x10: {  	[smem:$0x3FB6] =	sst s8  }
0x11: {  	[smem:$0x3FB7] =	sst s9;
	s0 =	simm.s32 @!p0 $0x0  }
0x12: {  	s1 =	sld [smem:$0x3F9D];
	s0 =	simm.s32 @p0 $0x1  }
0x13: {  	[smem:$0x3FB8] =	sst s0;
	s0 =	simm.s32 @!p1 $0x0  }
0x14: {  	s2 =	sld [smem:$0x3F9C];
	s0 =	simm.s32 @p1 $0x1  }
0x15: {  	[smem:$0x3FB9] =	sst s0;
	s0 =	simm.s32 @!p2 $0x0  }
0x16: {  	s3 =	sld [smem:$0x3FDB];
	s0 =	simm.s32 @p2 $0x1  }
0x17: {  	s4 =	simm.s32 $0x1BF5;
	[smem:$0x3FBB] =	sst s0  }
0x18: {  	s0 =	sld [smem:$0x3F9E];
	_ =	swait.ge [sflag:s4], $0x0  }
0x19: {  	s7 =	sld [smem:$0x3F9F]  }
0x1a: {  	s8 =	sadd.s32 $0xFFFFE003, lr  }
0x1b: {  	s9 =	sadd.s32 $0xFFFFFEF7, lr;
	s5 =	simm.s32 $0xFFFFFFFF;
	p2 =	slt.u32 s8, $0xFFFFF086  }
0x1c: {  	p1 =	slt.u32 s9, $0xF7A;
	s5 =	simm.s32 @!p2 $0x0  }
0x1d: {  	s5 =	simm.s32 @p1 $0x1;
	p0 =	seq.s32 s7, s2  }
0x1e: {  	s7 =	smul.u32 @!p0 $0xF7A, s2;
	p2 =	seq.s32 @!p0 s5, $0x0  }
0x1f: {  	s9 =	smul.u32 $0xF7A, s1;
	s8 =	simm.s32 @!p0 $0x1BF5;
	p2 =	por !p2, p0  }
0x20: {  	[sflag:s8] =	ssyncset.s32 @!p0 $0xFFFFF086;
	s6 =	sadd.s32 @!p0 s3, s7;
	s7 =	simm.s32 @!p0 $0x108  }
0x21: {  	s3 =	sadd.s32 s3, s9;
	s6 =	sadd.s32 @!p0 $0x88, s6;
	s7 =	simm.s32 @p2 $0x1082  }
0x22: {  	[simem:s7], [sflag:s8] =	dma.local @!p0 [hbm:s6], $0xF7A  }
0x23: {  	s9 =	sor.u32 $0xD0000000, s2;
	s6 =	simm.s32 $0x108;
	_ =	swait.ge @!p0 [sflag:s8], $0x0  }
0x24: {  	s3 =	sadd.s32 $0x88, s3;
	s6 =	simm.s32 @!p1 $0x1082;
	[sflag:s4] =	ssyncset.s32 $0xFFFFF086  }
0x25: {  	[simem:s6], [sflag:s4] =	dma.local [hbm:s3], $0xF7A  }
0x26: {  	[smem:$0x3F9F] =	sst s1;
	(tag) =	ssettag s2;
	_ =	strace s9  }
0x27: {  	s1 =	sld [smem:$0x3FAF]  }
0x28: {  	s2 =	sld [smem:$0x3FB0]  }
0x29: {  	s4 =	sld [smem:$0x3FB2]  }
0x2a: {  	p0 =	seq.s32 s5, $0x0;
	s5 =	sld [smem:$0x3FB3]  }
0x2b: {  	s6 =	sld [smem:$0x3FB4]  }
0x2c: {  	s7 =	sld [smem:$0x3FB5]  }
0x2d: {  	s3 =	simm.s32 $0x108;
	s8 =	sld [smem:$0x3FB6]  }
0x2e: {  	s3 =	simm.s32 @!p0 $0x1082;
	s9 =	sld [smem:$0x3FB7]  }
0x2f: {  	lr =	sadd.s32 s0, s3;
	s0 =	sld [smem:$0x3FAE]  }
0x30: {  	s3 =	sld [smem:$0x3FB1]  }
0x31: {  	[smem:$0x3FBA] =	sst s10  }
0x32: {  	s10 =	sld [smem:$0x3FB8];
	_ =	sdelay $0x3  }
0x33: {  	p0 =	seq.s32 s10, $0x1;
	s10 =	sld [smem:$0x3FBA];
	_ =	sdelay $0x3  }
0x34: {  	[smem:$0x3FBA] =	sst s10  }
0x35: {  	s10 =	sld [smem:$0x3FB9];
	_ =	sdelay $0x3  }
0x36: {  	p1 =	seq.s32 s10, $0x1;
	s10 =	sld [smem:$0x3FBA];
	_ =	sdelay $0x3  }
0x37: {  	[smem:$0x3FBA] =	sst s10  }
0x38: {  	s10 =	sld [smem:$0x3FBB]  }
0x39: {  	_ = 	snop;
	(pc) =	sbr.ind lr, $3  }
0x3a: {  	_ = 	snop  }
0x3b: {  	_ = 	snop  }
0x3c: {  	p2 =	seq.s32 s10, $0x1;
	s10 =	sld [smem:$0x3FBA]  }
0x3d: {  	_ =	shalt  }
0x3e: {  	_ =	shalt  }
0x3f: {  	_ =	shalt  }
0x40: {  	_ =	shalt  }
0x41: {  	_ =	shalt  }
0x42: {  	_ =	shalt  }
0x43: {  	_ =	shalt  }
0x44: {  	_ =	shalt  }
0x45: {  	_ =	shalt  }
0x46: {  	_ =	shalt  }
0x47: {  	_ =	shalt  }
0x48: {  	_ =	shalt  }
0x49: {  	_ =	shalt  }
0x4a: {  	_ =	shalt  }
0x4b: {  	_ =	shalt  }
0x4c: {  	_ =	shalt  }
0x4d: {  	_ =	shalt  }
0x4e: {  	_ =	shalt  }
0x4f: {  	_ =	shalt  }
0x50: {  	_ =	shalt  }
0x51: {  	_ =	shalt  }
0x52: {  	_ =	shalt  }
0x53: {  	_ =	shalt  }
0x54: {  	_ =	shalt  }
0x55: {  	_ =	shalt  }
0x56: {  	_ =	shalt  }
0x57: {  	_ =	shalt  }
0x58: {  	_ =	shalt  }
0x59: {  	_ =	shalt  }
0x5a: {  	_ =	shalt  }
0x5b: {  	_ =	shalt  }
0x5c: {  	_ =	shalt  }
0x5d: {  	_ =	shalt  }
0x5e: {  	_ =	shalt  }
0x5f: {  	_ =	shalt  }
0x60: {  	_ =	shalt  }
0x61: {  	_ =	shalt  }
0x62: {  	_ =	shalt  }
0x63: {  	_ =	shalt  }
0x64: {  	_ =	shalt  }
0x65: {  	_ =	shalt  }
0x66: {  	_ =	shalt  }
0x67: {  	_ =	shalt  }
0x68: {  	_ =	shalt  }
0x69: {  	_ =	shalt  }
0x6a: {  	_ =	shalt  }
0x6b: {  	_ =	shalt  }
0x6c: {  	_ =	shalt  }
0x6d: {  	_ =	shalt  }
0x6e: {  	_ =	shalt  }
0x6f: {  	_ =	shalt  }
0x70: {  	_ =	shalt  }
0x71: {  	_ =	shalt  }
0x72: {  	_ =	shalt  }
0x73: {  	_ =	shalt  }
0x74: {  	_ =	shalt  }
0x75: {  	_ =	shalt  }
0x76: {  	_ =	shalt  }
0x77: {  	_ =	shalt  }
0x78: {  	_ =	shalt  }
0x79: {  	_ =	shalt  }
0x7a: {  	_ =	shalt  }
0x7b: {  	_ =	shalt  }
0x7c: {  	_ =	shalt  }
0x7d: {  	_ =	shalt  }
0x7e: {  	_ =	shalt  }
0x7f: {  	_ =	shalt  }
0x80: {  	_ =	shalt  }
0x81: {  	_ =	shalt  }
0x82: {  	_ =	shalt  }
0x83: {  	_ =	shalt  }
0x84: {  	_ =	shalt  }
0x85: {  	_ =	shalt  }
0x86: {  	_ =	shalt  }
0x87: {  	_ =	shalt  }
.Lfunc_end0:
.L_simem_size_0:
called_computation_lowered:
.L_overlay_start_0:
0x88: {  	s2 =	sld [smem:$0x3FD9]  }
0x89: {  	s3 =	sld [smem:$0x3FFE];
	_ =	sdelay $0x1  }
0x8a: {  	s1 =	srdreg.scid  }
0x8b: {  	s0 =	sand.u32 $0x1, s1  }
0x8c: {  	s18 =	sshll.u32 s0, $0xA;
	s2 =	sadd.s32 s3, s2  }
0x8d: {  	s2 =	sadd.s32 s2, s18  }
0x8e: {  	[smem:$0x3FC6] =	sst s2  }
0x8f: {  	_ = 	snop  }
0x90: {  	s2 =	sld [smem:$0x3FC9]  }
0x91: {  	s19 =	sld [smem:$0x3FC8]  }
0x92: {  	s4 =	sld [smem:$0x3FD0];
	(tm) =	ssettm $0x1  }
0x93: {  	s5 =	sld [smem:$0x3FFB];
	_ =	sdelay $0x3  }
0x94: {  	_ =	strace s5  }
0x95: {  	s5 =	sld [smem:$0x3FFC];
	_ =	sdelay $0x3  }
0x96: {  	_ =	strace s5  }
0x97: {  	s5 =	sld [smem:$0x3FFD];
	_ =	sdelay $0x3  }
0x98: {  	_ =	strace s5  }
0x99: {  	_ =	strace $0x8FFFFFFF  }
0x9a: {  	s20 =	sld [smem:$0x3FDB];
	_ =	sdelay $0x1  }
0x9b: {  	s6 =	simm.s32 $_scs_section_size  }
0x9c: {  	s7 =	simm.s32 $_size__tile_overlayer_lowered;
	s8 =	simm.s32 $_tile_overlayer_lowered  }
0x9d: {  	s23 =	simm.s32 $0x1BFF;
	s22 =	sshll.u32 s8, $0x1;
	s5 =	sadd.s32 s6, s20  }
0x9e: {  	s9 =	simm.s32 $0x0;
	s21 =	sshll.u32 s7, $0x1;
	s7 =	sadd.s32 s22, s5  }
0x9f: {  	[timem:s9], [sflag:s23] =	dma.local [hbm:s7], s21  }
0xa0: {  	_ =	swait.ge [sflag:s23], s21  }
0xa1: {  	s6 =	ssub.s32 $0x0, s21;
	[sflag:s23] =	ssyncset.done $0x0  }
0xa2: {  	[sflag:s23] =	ssyncadd.s32 s6;
	_ =	sdelay $0x1  }
0xa3: {  	s24 =	simm.s32 $0x1B8B  }
0xa4: {  	_ =	swait.ge [sflag:s24], $0x1  }
0xa5: {  	[sflag:s24] =	ssyncset.done $0x0  }
0xa6: {  	s25 =	simm.s32 $0x1B8E;
	[sflag:s24] =	ssyncadd.s32 $0xFFFFFFFF  }
0xa7: {  	s26 =	simm.s32 $execute0_lowered;
	[smem:$0x3FD2] =	sst s25  }
0xa8: {  	s6 =	sshll.u32 s26, $0x1;
	_ =	strace $0x80000046;
	[dreg:$0x1] =	wrdreg $0xFFFFFFFF  }
0xa9: {  	s28 =	simm.s32 $_size_execute0_lowered;
	s5 =	sadd.s32 s5, s6;
	[dreg:$0x0] =	wrdreg $0x0  }
0xaa: {  	s6 =	sshll.u32 s28, $0x1;
	[dreg:$0x2] =	wrdreg s5  }
0xab: {  	[dreg:$0x3] =	wrdreg s6  }
0xac: {  	[dreg:$0x4] =	wrdreg $0xC0  }
0xad: {  	_ =	task [dreg:s9], $0x5FFFF  }
0xae: {  	[dreg:$0x1] =	wrdreg $0xFFFFFFFF  }
0xaf: {  	[dreg:$0x0] =	wrdreg $0x60  }
0xb0: {  	[dreg:$0x2] =	wrdreg s2  }
0xb1: {  	[dreg:$0x3] =	wrdreg s19  }
0xb2: {  	[dreg:$0x4] =	wrdreg s4  }
0xb3: {  	[dreg:$0x5] =	wrdreg $0x40800  }
0xb4: {  	[dreg:$0x6] =	wrdreg $0x9  }
0xb5: {  	_ =	task.clear_ibuf [dreg:s9], $0x7FFFF;
	_ =	strace $0x90000046  }
0xb6: {  	s29 =	simm.s32 $0x9;
	_ =	strace $0x80000048  }
0xb7: {  	_ =	swait.ge [sflag:s29], $0x1  }
0xb8: {  	[sflag:s29] =	ssyncadd.s32 $0xFFFFFFFF  }
0xb9: {  	_ =	strace $0x90000048  }
0xba: {  	_ =	sfence  }
0xbb: {  	s30 =	sld [smem:$0x0];
	_ =	sdelay $0x2  }
0xbc: {  	s31 =	sshll.u32 s1, $0xD;
	s1 =	sshrl.u32 s1, $0x2  }
0xbd: {  	s3 =	sand.u32 $0x4000, s31;
	s1 =	sadd.s32 s1, s30  }
0xbe: {  	s0 =	sor.u32 s3, s0;
	s1 =	sshll.u32 s1, $0x11  }
0xbf: {  	s0 =	sor.u32 s1, s0  }
0xc0: {  	s0 =	sadd.s32 $0x8F2B, s0  }
0xc1: {  	[sflag:s0] =	ssyncadd.remote.s32 $0x1  }
0xc2: {  	_ =	sfence.sel $0xFFFF  }
0xc3: {  	[dreg:$0x0] =	wrdreg $0xFFFFFFFF;
	(pc) =	sbr.abs _section_cstart, $3  }
0xc4: {  	[dreg:$0x1] =	wrdreg $0xFFFFFFFF  }
0xc5: {  	_ =	task.clear_ibuf [dreg:s9], $0x2FFFF;
	_ =	strace $0x9FFFFFFF  }
0xc6: {  	(tm) =	ssettm $0x7FFFFFFF  }
0xc7: {  	_ =	shalt  }
tec
execute0_lowered:
.L_overlay_start_1:
0x0: {  	(tag) =	ssettag $0x1  }
0x1: {  	s0 =	rddreg [dreg:$0x0]  }
0x2: {  	s4 =	srdreg.scid;
	s3 =	stileid.u32  }
0x3: {  	s1 =	rddreg [dreg:$0x2];
	s4 =	sand.u32 $0x1, s4;
	s5 =	smul.u32 $0x60000, s3  }
0x4: {  	s2 =	rddreg [dreg:$0x3];
	s8 =	sshll.u32 s3, $0x11;
	s7 =	sshll.u32 s4, $0x15  }
0x5: {  	s11 =	simm.s32 $0x0;
	s5 =	sshrl.u32 s5, $0x2;
	s24 =	sor.u32 s8, s7  }
0x6: {  	s6 =	ssub.s32 $0x2, s4;
	s4 =	sadd.s32 s5, s2;
	s5 =	sadd.s32 s24, s0  }
0x7: {  	s23 =	simm.s32 $0x5;
	[smem:$0x7FF] =	sst s11;
	s0 =	sadd.s32 $0x1000, s5  }
0x8: {  	_ =	strace $0x80000047;
	s25 =	sadd.s32 $0x200, s4;
	[dreg:$0x7] =	wrdreg s0  }
0x9: {  	s9 =	sshrl.u32 s6, $0x1;
	s26 =	sadd.s32 $0x8200, s4;
	[dreg:$0x8] =	wrdreg s25  }
0xa: {  	s28 =	sadd.s32 s24, s1;
	s29 =	sadd.s32 $0x10200, s4;
	[dreg:$0x9] =	wrdreg s26  }
0xb: {  	s1 =	sadd.s32 s7, s1;
	s30 =	sadd.s32 $0x1F000, s28;
	[dreg:$0xa] =	wrdreg s29  }
0xc: {  	s9 =	ssub.s32 s6, s9;
	s1 =	sadd.s32 s8, s1;
	[dreg:$0xb] =	wrdreg s30  }
0xd: {  	s24 =	simm.s32 $0x0;
	s31 =	smax.u32 s9, $0x1;
	[dreg:$0x5] =	wrdreg s1  }
0xe: {  	s6 =	sadd.s32 $0x8000, s4;
	s0 =	sadd.s32 $0x2000, s28;
	[dreg:$0xc] =	wrdreg s31  }
0xf: {  	v0 =	vimm.f32 $NaN;
	s10 =	sadd.s32 $0x10000, s4;
	s12 =	sadd.s32 $0x1E000, s28;
	[dreg:$0x6] =	wrdreg s0  }
.LBB2_1:
0x10: {  	s0 =	rddreg [dreg:$0x1];
	s31 =	simm.s32 $0x7  }
0x11: {  	[tilespmem:s11], [sflag:$0x7] =	stream.linear.gather [hbm4b:s0+s11], $0x80, $0x38;
	[tilespmem:$0x1C080] =	vst v63  }
0x12: {  	_ =	swait.ge [sflag:s31], $0x80  }
0x13: {  	[sflag:s31] =	ssyncset.done $0x0  }
0x14: {  	[sflag:s31] =	ssyncadd.s32 $0xFFFFFF80  }
0x15: {  	v1 =	vld [tilespmem:$0x0];
	_ =	sdelay $0x4  }
0x16: {  	(v2sf) =	vpush v1, $0x0;
	_ =	sdelay $0xe  }
0x17: {  	s0 =	spop (v2sf)  }
0x18: {  	p0 =	sne.s32 s0, $0x0  }
.Ltmp0:
0x19: {  	_ = 	snop;
	(pc) =	sbr.rel @!p0 .LBB2_2-.Ltmp0, $1  }
0x1a: {  	_ =	sdelay $0x3  }
.Ltmp1:
0x1b: {  	s1 =	sshll.u32 s3, $0x6;
	(pc) =	sbr.rel .LBB2_6-.Ltmp1, $4  }
0x1c: {  	s7 =	sshrl.u32 s4, $0x3;
	s2 =	sor.u32 $0x1C01, s1  }
0x1d: {  	[spmem:s7], [sflag:s2] =	dma.local [hbm:s5], $0x1000  }
0x1e: {  	s31 =	sshrl.u32 s6, $0x3;
	s1 =	sor.u32 $0x1C02, s1;
	s7 =	rddreg [dreg:$0x7]  }
0x1f: {  	[spmem:s31], [sflag:s1] =	dma.local [hbm:s7], $0x1000  }
.LBB2_2:
0x20: {  	s1 =	sshrl.u32 s11, $0x1  }
0x21: {  	s2 =	sand.u32 $0x3E00, s11;
	s1 =	sand.u32 $0x180, s1  }
0x22: {  	s7 =	sand.u32 $0x70, s11;
	s1 =	sor.u32 s1, s2  }
0x23: {  	s2 =	sor.u32 s7, s1  }
0x24: {  	s1 =	sadd.s32 $0x1, s11;
	s7 =	simm.s32 $0x0;
	[tilespmem:s2+$0x80] =	vst v0;
	s2 =	sadd.s32 $0x40, s11  }
.LBB2_3:
0x25: {  	s8 =	sshrl.u32 s1, $0x1  }
0x26: {  	p0 =	sne.s32 s1, $0x3FF;
	s1 =	sadd.s32 $0x1, s1;
	s9 =	sand.u32 $0x3E00, s2  }
.Ltmp2:
0x27: {  	s7 =	sadd.s32 $0x10, s7;
	s8 =	sand.u32 $0x180, s8;
	(pc) =	sbr.rel @p0 .LBB2_3-.Ltmp2, $4  }
0x28: {  	s11 =	sand.u32 $0x70, s7;
	s8 =	sor.u32 s8, s9  }
0x29: {  	s8 =	sor.u32 s11, s8  }
0x2a: {  	[tilespmem:s8+$0x80] =	vst v0  }
0x2b: {  	s2 =	sadd.s32 $0x40, s2  }
0x2c: {  	s2 =	simm.s32 $0x200  }
0x2d: {  	s7 =	simm.s32 $0x400;
	s8 =	simm.s32 $0x80;
	s9 =	simm.s32 $0x1  }
0x2e: {  	[spmem:s4] =	stream.strided.scatter [tilespmem:s8], [sflag:$0x1], $0x4000, s7, s2, $0x38;
	[tilespmem:$0x1C080] =	vst v63  }
0x2f: {  	_ =	swait.ge [sflag:s9], $0x4000  }
0x30: {  	[sflag:s9] =	ssyncset.done $0x0  }
0x31: {  	s1 =	rddreg [dreg:$0x8];
	[sflag:s9] =	ssyncadd.s32 $0xFFFFC000  }
0x32: {  	[spmem:s1] =	stream.strided.scatter [tilespmem:s8], [sflag:$0x1], $0x4000, s7, s2, $0x38;
	[tilespmem:$0x1C080] =	vst v63  }
0x33: {  	_ =	swait.ge [sflag:s9], $0x4000  }
0x34: {  	[sflag:s9] =	ssyncset.done $0x0  }
0x35: {  	s28 =	simm.s32 $0x2;
	[sflag:s9] =	ssyncadd.s32 $0xFFFFC000  }
0x36: {  	[spmem:s6] =	stream.strided.scatter [tilespmem:s8], [sflag:$0x2], $0x4000, s7, s2, $0x38;
	[tilespmem:$0x1C080] =	vst v63  }
0x37: {  	_ =	swait.ge [sflag:s28], $0x4000  }
0x38: {  	[sflag:s28] =	ssyncset.done $0x0  }
0x39: {  	s29 =	rddreg [dreg:$0x9];
	[sflag:s28] =	ssyncadd.s32 $0xFFFFC000  }
0x3a: {  	[spmem:s29] =	stream.strided.scatter [tilespmem:s8], [sflag:$0x2], $0x4000, s7, s2, $0x38;
	[tilespmem:$0x1C080] =	vst v63  }
0x3b: {  	_ =	swait.ge [sflag:s28], $0x4000  }
0x3c: {  	[sflag:s28] =	ssyncset.done $0x0  }
0x3d: {  	s30 =	simm.s32 $0x3;
	[sflag:s28] =	ssyncadd.s32 $0xFFFFC000  }
0x3e: {  	[spmem:s10] =	stream.strided.scatter [tilespmem:s8], [sflag:$0x3], $0x4000, s7, s2, $0x38;
	[tilespmem:$0x1C080] =	vst v63  }
0x3f: {  	_ =	swait.ge [sflag:s30], $0x4000  }
0x40: {  	[sflag:s30] =	ssyncset.done $0x0  }
0x41: {  	s31 =	rddreg [dreg:$0xa];
	[sflag:s30] =	ssyncadd.s32 $0xFFFFC000  }
0x42: {  	[spmem:s31] =	stream.strided.scatter [tilespmem:s8], [sflag:$0x3], $0x4000, s7, s2, $0x38;
	[tilespmem:$0x1C080] =	vst v63  }
0x43: {  	_ =	swait.ge [sflag:s30], $0x4000  }
0x44: {  	[sflag:s30] =	ssyncset.done $0x0  }
0x45: {  	[sflag:s30] =	ssyncadd.s32 $0xFFFFC000  }
.LBB2_6:
0x46: {  	p0 =	seq.s32 s0, $0x0  }
0x47: {  	s25 =	simm.s32 @!p0 $0x1  }
0x48: {  	_ =	swait.ge @!p0 [sflag:s25], $0x1000  }
0x49: {  	p1 =	por $0x1, $0x1;
	[sflag:s25] =	ssyncset.done @!p0 $0x0  }
0x4a: {  	s0 =	simm.s32 @!p1 $0x6;
	[sflag:s25] =	ssyncadd.s32 @!p0 $0xFFFFF000  }
0x4b: {  	s29 =	sshrl.u32 @!p0 s10, $0x3;
	_ =	swait.ge @!p1 [sflag:s0], $0x1000  }
0x4c: {  	s2 =	sadd.s32 @!p0 $0x0, s5;
	s18 =	sshll.u32 @!p0 s3, $0x6;
	[sflag:s0] =	ssyncset.done @!p1 $0x0  }
0x4d: {  	s31 =	sor.u32 @!p0 $0x1C03, s18;
	[sflag:s0] =	ssyncadd.s32 @!p1 $0xFFFFF000;
	s0 =	sadd.s32 @!p0 $0x2000, s2  }
0x4e: {  	[spmem:s29], [sflag:s31] =	dma.local @!p0 [hbm:s0], $0x1000  }
0x4f: {  	s20 =	sshll.u32 s3, $0x6;
	s11 =	sshrl.u32 s4, $0x3;
	s0 =	rddreg [dreg:$0x5]  }
0x50: {  	s9 =	simm.s32 @p0 $0x4;
	s26 =	sor.u32 $0x1C04, s20;
	s14 =	sadd.s32 $0x0, s0  }
0x51: {  	[hbm:s14], [sflag:s26] =	dma.local [spmem:s11], $0x1000  }
0x52: {  	_ =	swait.ge @p0 [sflag:s9], $0x1000  }
0x53: {  	[sflag:s9] =	ssyncset.done @p0 $0x0  }
0x54: {  	s28 =	simm.s32 @!p0 $0x2;
	[sflag:s9] =	ssyncadd.s32 @p0 $0xFFFFF000  }
0x55: {  	_ =	swait.ge @!p0 [sflag:s28], $0x1000  }
0x56: {  	[sflag:s28] =	ssyncset.done @!p0 $0x0  }
0x57: {  	s30 =	sshrl.u32 s6, $0x3;
	s1 =	simm.s32 @!p0 $0x4;
	[sflag:s28] =	ssyncadd.s32 @!p0 $0xFFFFF000  }
0x58: {  	s7 =	simm.s32 @p0 $0x5;
	s8 =	sshrl.u32 @!p0 s4, $0x3;
	_ =	swait.ge @!p0 [sflag:s1], $0x1000  }
0x59: {  	s13 =	sor.u32 @!p0 $0x1C01, s18;
	s16 =	sadd.s32 @!p0 $0x3000, s2;
	[sflag:s1] =	ssyncset.done @!p0 $0x0  }
0x5a: {  	s0 =	sor.u32 $0x1C05, s20;
	s14 =	sadd.s32 $0x1000, s14;
	[sflag:s1] =	ssyncadd.s32 @!p0 $0xFFFFF000  }
0x5b: {  	[spmem:s8], [sflag:s13] =	dma.local @!p0 [hbm:s16], $0x1000  }
0x5c: {  	[hbm:s14], [sflag:s0] =	dma.local [spmem:s30], $0x1000  }
0x5d: {  	_ =	swait.ge @p0 [sflag:s7], $0x1000  }
0x5e: {  	[sflag:s7] =	ssyncset.done @p0 $0x0  }
0x5f: {  	s14 =	simm.s32 @!p0 $0x3;
	[sflag:s7] =	ssyncadd.s32 @p0 $0xFFFFF000  }
0x60: {  	_ =	swait.ge @!p0 [sflag:s14], $0x1000  }
0x61: {  	[sflag:s14] =	ssyncset.done @!p0 $0x0  }
0x62: {  	s16 =	simm.s32 @!p0 $0x5;
	[sflag:s14] =	ssyncadd.s32 @!p0 $0xFFFFF000  }
0x63: {  	_ =	swait.ge @!p0 [sflag:s16], $0x1000  }
0x64: {  	s17 =	sshrl.u32 @!p0 s6, $0x3;
	[sflag:s16] =	ssyncset.done @!p0 $0x0  }
0x65: {  	s18 =	sor.u32 @!p0 $0x1C02, s18;
	s2 =	sadd.s32 @!p0 $0x4000, s2;
	[sflag:s16] =	ssyncadd.s32 @!p0 $0xFFFFF000  }
0x66: {  	[spmem:s17], [sflag:s18] =	dma.local @!p0 [hbm:s2], $0x1000  }
0x67: {  	s19 =	simm.s32 $0x3000;
	s2 =	rddreg [dreg:$0x6]  }
0x68: {  	s21 =	sshrl.u32 s10, $0x3;
	s20 =	sor.u32 $0x1C06, s20;
	s2 =	sadd.s32 $0x0, s2  }
.LBB2_7:
0x69: {  	[hbm:s2], [sflag:s20] =	dma.local [spmem:s21], $0x1000  }
0x6a: {  	s2 =	smov.u32 s19;
	_ =	swait.ge @!p0 [sflag:s25], $0x1000  }
0x6b: {  	p2 =	seq.s32 s2, $0x0;
	[sflag:s25] =	ssyncset.done @!p0 $0x0  }
0x6c: {  	s3 =	simm.s32 @!p2 $0x6;
	[sflag:s25] =	ssyncadd.s32 @!p0 $0xFFFFF000  }
0x6d: {  	_ =	swait.ge @!p2 [sflag:s3], $0x1000  }
0x6e: {  	s15 =	sadd.s32 @!p0 s2, s5;
	[sflag:s3] =	ssyncset.done @!p2 $0x0  }
0x6f: {  	[sflag:s3] =	ssyncadd.s32 @!p2 $0xFFFFF000;
	s3 =	sadd.s32 @!p0 $0x2000, s15  }
0x70: {  	[spmem:s29], [sflag:s31] =	dma.local @!p0 [hbm:s3], $0x1000  }
0x71: {  	s3 =	rddreg [dreg:$0x5]  }
0x72: {  	s3 =	sadd.s32 s2, s3  }
0x73: {  	[hbm:s3], [sflag:s26] =	dma.local [spmem:s11], $0x1000  }
0x74: {  	_ =	swait.ge @p0 [sflag:s9], $0x1000  }
0x75: {  	[sflag:s9] =	ssyncset.done @p0 $0x0  }
0x76: {  	[sflag:s9] =	ssyncadd.s32 @p0 $0xFFFFF000  }
0x77: {  	_ =	swait.ge @!p0 [sflag:s28], $0x1000  }
0x78: {  	[sflag:s28] =	ssyncset.done @!p0 $0x0  }
0x79: {  	[sflag:s28] =	ssyncadd.s32 @!p0 $0xFFFFF000  }
0x7a: {  	_ =	swait.ge @!p0 [sflag:s1], $0x1000  }
0x7b: {  	[sflag:s1] =	ssyncset.done @!p0 $0x0  }
0x7c: {  	s22 =	sadd.s32 @!p0 $0x3000, s15;
	s3 =	sadd.s32 $0x1000, s3;
	[sflag:s1] =	ssyncadd.s32 @!p0 $0xFFFFF000  }
0x7d: {  	[spmem:s8], [sflag:s13] =	dma.local @!p0 [hbm:s22], $0x1000  }
0x7e: {  	[hbm:s3], [sflag:s0] =	dma.local [spmem:s30], $0x1000  }
0x7f: {  	_ =	swait.ge @p0 [sflag:s7], $0x1000  }
0x80: {  	[sflag:s7] =	ssyncset.done @p0 $0x0  }
0x81: {  	[sflag:s7] =	ssyncadd.s32 @p0 $0xFFFFF000  }
0x82: {  	_ =	swait.ge @!p0 [sflag:s14], $0x1000  }
0x83: {  	[sflag:s14] =	ssyncset.done @!p0 $0x0  }
0x84: {  	s19 =	sadd.s32 $0x3000, s19;
	[sflag:s14] =	ssyncadd.s32 @!p0 $0xFFFFF000  }
0x85: {  	p1 =	sne.s32 s19, $0x1E000;
	_ =	swait.ge @!p0 [sflag:s16], $0x1000  }
.Ltmp3:
0x86: {  	[sflag:s16] =	ssyncset.done @!p0 $0x0;
	(pc) =	sbr.rel @p1 .LBB2_7-.Ltmp3, $4  }
0x87: {  	s3 =	sadd.s32 @!p0 $0x4000, s15;
	[sflag:s16] =	ssyncadd.s32 @!p0 $0xFFFFF000  }
0x88: {  	[spmem:s17], [sflag:s18] =	dma.local @!p0 [hbm:s3], $0x1000  }
0x89: {  	s3 =	rddreg [dreg:$0x6]  }
0x8a: {  	s2 =	sadd.s32 s2, s3  }
0x8b: {  	[hbm:s2], [sflag:s20] =	dma.local [spmem:s21], $0x1000  }
0x8c: {  	s1 =	simm.s32 @p0 $0x6  }
0x8d: {  	_ =	swait.ge @p0 [sflag:s1], $0x1000  }
0x8e: {  	[sflag:s1] =	ssyncset.done @p0 $0x0  }
0x8f: {  	[sflag:s1] =	ssyncadd.s32 @p0 $0xFFFFF000;
	s1 =	sshrl.u32 @p0 s4, $0x3  }
0x90: {  	[hbm:s12], [sflag:s26] =	dma.local @p0 [spmem:s1], $0x1000  }
0x91: {  	_ =	swait.ge @!p0 [sflag:s25], $0x1000  }
0x92: {  	[sflag:s25] =	ssyncset.done @!p0 $0x0  }
0x93: {  	s1 =	simm.s32 @!p0 $0x6;
	[sflag:s25] =	ssyncadd.s32 @!p0 $0xFFFFF000  }
0x94: {  	_ =	swait.ge @!p0 [sflag:s1], $0x1000  }
0x95: {  	[sflag:s1] =	ssyncset.done @!p0 $0x0  }
0x96: {  	[sflag:s1] =	ssyncadd.s32 @!p0 $0xFFFFF000  }
0x97: {  	[hbm:s12], [sflag:s26] =	dma.local @!p0 [spmem:s8], $0x1000  }
0x98: {  	_ =	swait.ge @!p0 [sflag:s28], $0x1000  }
0x99: {  	[sflag:s28] =	ssyncset.done @!p0 $0x0  }
0x9a: {  	[sflag:s28] =	ssyncadd.s32 @!p0 $0xFFFFF000;
	s28 =	simm.s32 $0x4  }
0x9b: {  	_ =	swait.ge [sflag:s28], $0x1000  }
0x9c: {  	[sflag:s28] =	ssyncset.done $0x0  }
0x9d: {  	s29 =	rddreg [dreg:$0xb];
	[sflag:s28] =	ssyncadd.s32 $0xFFFFF000  }
0x9e: {  	[hbm:s29], [sflag:s0] =	dma.local [spmem:s30], $0x1000  }
0x9f: {  	_ =	swait.ge [sflag:s23], $0x1000  }
0xa0: {  	s24 =	sadd.s32 $0x1, s24;
	s31 =	rddreg [dreg:$0xc]  }
0xa1: {  	p0 =	sne.s32 s24, s31  }
.Ltmp4:
0xa2: {  	_ = 	snop;
	(pc) =	sbr.rel @p0 .LBB2_1-.Ltmp4, $3  }
0xa3: {  	_ =	sdelay $0x1  }
0xa4: {  	[sflag:s23] =	ssyncset.done $0x0  }
0xa5: {  	s3 =	stileid.u32;
	s11 =	simm.s32 $0x0;
	[sflag:s23] =	ssyncadd.s32 $0xFFFFF000  }
0xa6: {  	_ =	sfence.sel $0x180000  }
0xa7: {  	[bflag:$0x0] =	sbarrier.arrive $0xFFFF  }
0xa8: {  	_ =	strace $0x90000047  }
0xa9: {  	[bflag:$0x2] =	sbarrier.arrive $0xFFFF  }
0xaa: {  	p0 =	sne.s32 s3, $0x0;
	s0 =	rddreg [dreg:$0x4]  }
0xab: {  	s0 =	sadd.s32 @!p0 $0x100000, s0  }
0xac: {  	[sflag:s0] =	ssyncadd.tile.s32 @!p0 $0x1;
	_ =	shalt  }
.Lfunc_end2:
_tile_overlayer_lowered:
.L_overlay_start_2:
0xad: {  	(tag) =	ssettag $0x2  }
0xae: {  	s0 =	rddreg [dreg:$0x0];
	s2 =	stileid.u32  }
0xaf: {  	s1 =	rddreg [dreg:$0x1];
	p0 =	sne.s32 s2, $0x0  }
0xb0: {  	s3 =	rddreg [dreg:$0x2];
	[bflag:$0x3] =	sbarrier.arrive $0xFFFF;
	s2 =	simm.s32 @!p0 $0x1C07  }
0xb1: {  	[timem:s3], [sflag:s2] =	dma.local @!p0 [hbm:s0], s1  }
0xb2: {  	s0 =	simm.s32 @!p0 $0x7  }
0xb3: {  	_ =	swait.ge @!p0 [sflag:s0], s1  }
0xb4: {  	s1 =	ssub.s32 @!p0 $0x0, s1;
	[sflag:s0] =	ssyncset.done @!p0 $0x0  }
0xb5: {  	[sflag:s0] =	ssyncadd.s32 @!p0 s1  }
0xb6: {  	[bflag:$0x3] =	sbarrier.arrive $0xFFFF  }
0xb7: {  	_ =	shalt  }

</sc_bundles>
